<compile_context>
chip_gen: v7x
topology: tpu7x:2x2x1
jax: 0.10.2.dev20260603
libtpu: 0.0.44.dev20260713+nightly
codegen_flags: <defaults>
</compile_context>

<pallas_src>
import functools

import jax
import jax.numpy as jnp
from jax import lax
from jax.experimental import pallas as pl
from jax.experimental.pallas import tpu as pltpu
from jax.experimental.pallas import tpu_sc as plsc

D_MODEL = 128
CHUNK = 128
NBUF = 5
LAG = 3


def _body(idx_hbm, table_hbm, out_hbm, idx_v, rows_v, *sems):
    gsems = list(sems[:NBUF])
    wsems = list(sems[NBUF:])
    info = plsc.get_sparse_core_info()
    nc = info.num_cores
    wid = lax.axis_index("s") * nc + lax.axis_index("c")
    n_ch = idx_v.shape[0]
    b0 = wid * CHUNK

    def g_start(j, b):
        pltpu.async_copy(table_hbm.at[idx_v.at[j]], rows_v.at[b], gsems[b])

    def g_wait(j, b):
        pltpu.make_async_copy(
            table_hbm.at[idx_v.at[j]], rows_v.at[b], gsems[b]
        ).wait()

    def add1(r):
        for c in range(CHUNK // 16):
            sl = pl.ds(c * 16, 16)
            idx_v[r, sl] = idx_v[r, sl] + 1

    def w_start(j, b):
        pltpu.async_copy(
            rows_v.at[b], out_hbm.at[j, pl.ds(b0, CHUNK)], wsems[b]
        )

    def w_wait(j, b):
        pltpu.make_async_copy(
            rows_v.at[b], out_hbm.at[j, pl.ds(b0, CHUNK)], wsems[b]
        ).wait()

    pltpu.sync_copy(idx_hbm.at[:, pl.ds(b0, CHUNK)], idx_v)

    for j in range(LAG):
        add1(j)
        g_start(j, j % NBUF)

    def _step(g, _):
        for b in range(NBUF):
            j = g * NBUF + b
            g_wait(j, b)
            w_start(j, b)

            @pl.when(j >= NBUF - LAG)
            def _():
                w_wait(j - (NBUF - LAG), (b + LAG) % NBUF)

            @pl.when(j + LAG < n_ch)
            def _():
                add1(j + LAG)
                g_start(j + LAG, (b + LAG) % NBUF)

        return 0

    n_main = (n_ch // NBUF) * NBUF
    lax.fori_loop(0, n_ch // NBUF, _step, 0)

    for j in range(n_main, n_ch):
        g_wait(j, j % NBUF)
        w_start(j, j % NBUF)
    for j in range(n_main - (NBUF - LAG), n_ch):
        w_wait(j, j % NBUF)


def kernel(x, parent_embeddings):
    batch, seq = x.shape
    idx = x.T.astype(jnp.int32)

    mesh = plsc.VectorSubcoreMesh(core_axis_name="c", subcore_axis_name="s")
    run = functools.partial(
        pl.kernel,
        mesh=mesh,
        out_type=jax.ShapeDtypeStruct((seq, batch, D_MODEL), jnp.float32),
        scratch_types=[
            pltpu.VMEM((seq, CHUNK), jnp.int32),
            pltpu.VMEM((NBUF, CHUNK, D_MODEL), jnp.float32),
        ]
        + [pltpu.SemaphoreType.DMA] * (2 * NBUF),
    )(_body)
    out = run(idx, parent_embeddings)
    return jnp.transpose(out, (1, 0, 2))

# --- scband reference (transcript-rebuilt; emitter-appended) ---
"""Pipeline reference for scband-structure-encoding-23175643530166 (READ-ONLY COPY).

The authoritative reference and input builder live on the scoring server;
editing this copy changes nothing except your own understanding.
"""

import jax, jax.numpy as jnp
import numpy as np

D_MODEL = 128
MAX_NUM_LIMBS = 100000
BATCH = 4096
SEQ = 50

def setup_inputs(seed: int = 0) -> dict:
    key = jax.random.key(seed)
    k_idx, k_tab = jax.random.split(key)
    # forward input: indices in [0, MAX_NUM_LIMBS-2] so that x+1 stays in-range
    x = jax.random.randint(k_idx, (BATCH, SEQ), 0, MAX_NUM_LIMBS - 1, dtype=jnp.int32).astype(jnp.int64)
    # learned parameter: embedding table [max_num_limbs, d_model]
    parent_embeddings = jax.random.normal(k_tab, (MAX_NUM_LIMBS, D_MODEL), dtype=jnp.float32)
    return {"x": x, "parent_embeddings": parent_embeddings}

def reference(x, parent_embeddings):
    # x = x + 1
    idx = x + 1
    # embedding lookup (gather)
    out = jnp.take(parent_embeddings, idx, axis=0)
    # dropout is identity at inference (eval mode)
    return out

if __name__ == "__main__":
    import jax
    _d = setup_inputs()
    print(jax.jit(kernel)(*tuple(_d.values())))

</pallas_src>

<mosaic_0001>
#map = affine_map<(d0, d1) -> (0, 0)>
#map1 = affine_map<(d0, d1) -> (0, 0, 0)>
module attributes {stable_mosaic.version = 14 : i64} {
  func.func @_body(%arg0: i32, %arg1: i32, %arg2: memref<50x4096xi32, #tpu.memory_space<hbm>>, %arg3: memref<100000x128xf32, #tpu.memory_space<hbm>>, %arg4: memref<50x4096x128xf32, #tpu.memory_space<hbm>>, %arg5: memref<50x128xi32, #tpu.memory_space<vmem>>, %arg6: memref<5x128x128xf32, #tpu.memory_space<vmem>>, %arg7: memref<!tpu.dma_semaphore, #tpu.memory_space<semaphore_mem>>, %arg8: memref<!tpu.dma_semaphore, #tpu.memory_space<semaphore_mem>>, %arg9: memref<!tpu.dma_semaphore, #tpu.memory_space<semaphore_mem>>, %arg10: memref<!tpu.dma_semaphore, #tpu.memory_space<semaphore_mem>>, %arg11: memref<!tpu.dma_semaphore, #tpu.memory_space<semaphore_mem>>, %arg12: memref<!tpu.dma_semaphore, #tpu.memory_space<semaphore_mem>>, %arg13: memref<!tpu.dma_semaphore, #tpu.memory_space<semaphore_mem>>, %arg14: memref<!tpu.dma_semaphore, #tpu.memory_space<semaphore_mem>>, %arg15: memref<!tpu.dma_semaphore, #tpu.memory_space<semaphore_mem>>, %arg16: memref<!tpu.dma_semaphore, #tpu.memory_space<semaphore_mem>>) attributes {dimension_semantics = [#tpu.dimension_semantics<core_parallel>, #tpu.dimension_semantics<subcore_parallel>], iteration_bounds = array<i64: 2, 16>, scalar_prefetch = 0 : i64, scratch_operands = 12 : i64, tpu.core_type = #tpu.core_type<sc_vector_subcore>, window_params = [{transform_indices = #map}, {transform_indices = #map}, {transform_indices = #map1}]} {
    %mul3A = arith.constant 2 : i32
    %mul3A_0 = arith.muli %arg1, %mul3A : i32
    %add3A = arith.addi %mul3A_0, %arg0 : i32
    %mul3A_1 = arith.constant 128 : i32
    %mul3A_2 = arith.muli %add3A, %mul3A_1 : i32
    "tpu.region"() ({
      %run_scoped3A = tpu.sem_alloc : memref<!tpu.dma_semaphore, #tpu.memory_space<semaphore_mem>>
      %dma_start3A_409 = arith.constant 0 : i32
      %dma_start3A_410 = tpu.memref_slice %arg2[%dma_start3A_409, %mul3A_2] : memref<50x4096xi32, #tpu.memory_space<hbm>> -> memref<50x128xi32, #tpu.memory_space<hbm>>
      %dma_start3A_411 = arith.constant 0 : i32
      %dma_start3A_412 = tpu.memref_slice %arg2[%dma_start3A_411, %mul3A_2] : memref<50x4096xi32, #tpu.memory_space<hbm>> -> memref<50x128xi32, #tpu.memory_space<hbm>>
      tpu.enqueue_dma source(%dma_start3A_412 : memref<50x128xi32, #tpu.memory_space<hbm>>) target(%arg5 : memref<50x128xi32, #tpu.memory_space<vmem>>) target_semaphore(%run_scoped3A : memref<!tpu.dma_semaphore, #tpu.memory_space<semaphore_mem>>)
      %dma_wait3A_413 = arith.constant 0 : i32
      %dma_wait3A_414 = tpu.memref_slice %arg2[%dma_wait3A_413, %mul3A_2] : memref<50x4096xi32, #tpu.memory_space<hbm>> -> memref<50x128xi32, #tpu.memory_space<hbm>>
      %dma_wait3A_415 = arith.constant 0 : i32
      %dma_wait3A_416 = tpu.memref_slice %arg2[%dma_wait3A_415, %mul3A_2] : memref<50x4096xi32, #tpu.memory_space<hbm>> -> memref<50x128xi32, #tpu.memory_space<hbm>>
      tpu.wait_dma2 semaphore(%run_scoped3A : memref<!tpu.dma_semaphore, #tpu.memory_space<semaphore_mem>>) src(%dma_wait3A_416 : memref<50x128xi32, #tpu.memory_space<hbm>>) dst(%arg5 : memref<50x128xi32, #tpu.memory_space<vmem>>)
      tpu.yield
    }) : () -> ()
    %get3A = arith.constant 0 : i32
    %get3A_3 = arith.index_cast %get3A : i32 to index
    %get3A_4 = arith.constant 0 : index
    %get3A_5 = tpu.vector_load %arg5[%get3A_3, %get3A_4] {strides = array<i32>} : memref<50x128xi32, #tpu.memory_space<vmem>>, vector<1x16xi32>,
    %get3A_6 = vector.shape_cast %get3A_5 : vector<1x16xi32> to vector<16xi32>
    %add3A_7 = arith.constant 1 : i32
    %add3A_8 = vector.broadcast %add3A_7 : i32 to vector<16xi32>
    %add3A_9 = arith.addi %get3A_6, %add3A_8 : vector<16xi32>
    %swap3A = arith.constant 0 : i32
    %swap3A_10 = arith.index_cast %swap3A : i32 to index
    %swap3A_11 = arith.constant 0 : index
    %swap3A_12 = tpu.vector_load %arg5[%swap3A_10, %swap3A_11] {strides = array<i32>} : memref<50x128xi32, #tpu.memory_space<vmem>>, vector<1x16xi32>,
    %swap3A_13 = vector.shape_cast %swap3A_12 : vector<1x16xi32> to vector<16xi32>
    %swap3A_14 = vector.shape_cast %add3A_9 : vector<16xi32> to vector<1x16xi32>
    tpu.vector_store %arg5[%swap3A_10, %swap3A_11], %swap3A_14 {strides = array<i32>} : memref<50x128xi32, #tpu.memory_space<vmem>>, vector<1x16xi32>,
    %get3A_15 = arith.constant 0 : i32
    %get3A_16 = arith.index_cast %get3A_15 : i32 to index
    %get3A_17 = arith.constant 16 : index
    %get3A_18 = tpu.vector_load %arg5[%get3A_16, %get3A_17] {strides = array<i32>} : memref<50x128xi32, #tpu.memory_space<vmem>>, vector<1x16xi32>,
    %get3A_19 = vector.shape_cast %get3A_18 : vector<1x16xi32> to vector<16xi32>
    %add3A_20 = arith.constant 1 : i32
    %add3A_21 = vector.broadcast %add3A_20 : i32 to vector<16xi32>
    %add3A_22 = arith.addi %get3A_19, %add3A_21 : vector<16xi32>
    %swap3A_23 = arith.constant 0 : i32
    %swap3A_24 = arith.index_cast %swap3A_23 : i32 to index
    %swap3A_25 = arith.constant 16 : index
    %swap3A_26 = tpu.vector_load %arg5[%swap3A_24, %swap3A_25] {strides = array<i32>} : memref<50x128xi32, #tpu.memory_space<vmem>>, vector<1x16xi32>,
    %swap3A_27 = vector.shape_cast %swap3A_26 : vector<1x16xi32> to vector<16xi32>
    %swap3A_28 = vector.shape_cast %add3A_22 : vector<16xi32> to vector<1x16xi32>
    tpu.vector_store %arg5[%swap3A_24, %swap3A_25], %swap3A_28 {strides = array<i32>} : memref<50x128xi32, #tpu.memory_space<vmem>>, vector<1x16xi32>,
    %get3A_29 = arith.constant 0 : i32
    %get3A_30 = arith.index_cast %get3A_29 : i32 to index
    %get3A_31 = arith.constant 32 : index
    %get3A_32 = tpu.vector_load %arg5[%get3A_30, %get3A_31] {strides = array<i32>} : memref<50x128xi32, #tpu.memory_space<vmem>>, vector<1x16xi32>,
    %get3A_33 = vector.shape_cast %get3A_32 : vector<1x16xi32> to vector<16xi32>
    %add3A_34 = arith.constant 1 : i32
    %add3A_35 = vector.broadcast %add3A_34 : i32 to vector<16xi32>
    %add3A_36 = arith.addi %get3A_33, %add3A_35 : vector<16xi32>
    %swap3A_37 = arith.constant 0 : i32
    %swap3A_38 = arith.index_cast %swap3A_37 : i32 to index
    %swap3A_39 = arith.constant 32 : index
    %swap3A_40 = tpu.vector_load %arg5[%swap3A_38, %swap3A_39] {strides = array<i32>} : memref<50x128xi32, #tpu.memory_space<vmem>>, vector<1x16xi32>,
    %swap3A_41 = vector.shape_cast %swap3A_40 : vector<1x16xi32> to vector<16xi32>
    %swap3A_42 = vector.shape_cast %add3A_36 : vector<16xi32> to vector<1x16xi32>
    tpu.vector_store %arg5[%swap3A_38, %swap3A_39], %swap3A_42 {strides = array<i32>} : memref<50x128xi32, #tpu.memory_space<vmem>>, vector<1x16xi32>,
    %get3A_43 = arith.constant 0 : i32
    %get3A_44 = arith.index_cast %get3A_43 : i32 to index
    %get3A_45 = arith.constant 48 : index
    %get3A_46 = tpu.vector_load %arg5[%get3A_44, %get3A_45] {strides = array<i32>} : memref<50x128xi32, #tpu.memory_space<vmem>>, vector<1x16xi32>,
    %get3A_47 = vector.shape_cast %get3A_46 : vector<1x16xi32> to vector<16xi32>
    %add3A_48 = arith.constant 1 : i32
    %add3A_49 = vector.broadcast %add3A_48 : i32 to vector<16xi32>
    %add3A_50 = arith.addi %get3A_47, %add3A_49 : vector<16xi32>
    %swap3A_51 = arith.constant 0 : i32
    %swap3A_52 = arith.index_cast %swap3A_51 : i32 to index
    %swap3A_53 = arith.constant 48 : index
    %swap3A_54 = tpu.vector_load %arg5[%swap3A_52, %swap3A_53] {strides = array<i32>} : memref<50x128xi32, #tpu.memory_space<vmem>>, vector<1x16xi32>,
    %swap3A_55 = vector.shape_cast %swap3A_54 : vector<1x16xi32> to vector<16xi32>
    %swap3A_56 = vector.shape_cast %add3A_50 : vector<16xi32> to vector<1x16xi32>
    tpu.vector_store %arg5[%swap3A_52, %swap3A_53], %swap3A_56 {strides = array<i32>} : memref<50x128xi32, #tpu.memory_space<vmem>>, vector<1x16xi32>,
    %get3A_57 = arith.constant 0 : i32
    %get3A_58 = arith.index_cast %get3A_57 : i32 to index
    %get3A_59 = arith.constant 64 : index
    %get3A_60 = tpu.vector_load %arg5[%get3A_58, %get3A_59] {strides = array<i32>} : memref<50x128xi32, #tpu.memory_space<vmem>>, vector<1x16xi32>,
    %get3A_61 = vector.shape_cast %get3A_60 : vector<1x16xi32> to vector<16xi32>
    %add3A_62 = arith.constant 1 : i32
    %add3A_63 = vector.broadcast %add3A_62 : i32 to vector<16xi32>
    %add3A_64 = arith.addi %get3A_61, %add3A_63 : vector<16xi32>
    %swap3A_65 = arith.constant 0 : i32
    %swap3A_66 = arith.index_cast %swap3A_65 : i32 to index
    %swap3A_67 = arith.constant 64 : index
    %swap3A_68 = tpu.vector_load %arg5[%swap3A_66, %swap3A_67] {strides = array<i32>} : memref<50x128xi32, #tpu.memory_space<vmem>>, vector<1x16xi32>,
    %swap3A_69 = vector.shape_cast %swap3A_68 : vector<1x16xi32> to vector<16xi32>
    %swap3A_70 = vector.shape_cast %add3A_64 : vector<16xi32> to vector<1x16xi32>
    tpu.vector_store %arg5[%swap3A_66, %swap3A_67], %swap3A_70 {strides = array<i32>} : memref<50x128xi32, #tpu.memory_space<vmem>>, vector<1x16xi32>,
    %get3A_71 = arith.constant 0 : i32
    %get3A_72 = arith.index_cast %get3A_71 : i32 to index
    %get3A_73 = arith.constant 80 : index
    %get3A_74 = tpu.vector_load %arg5[%get3A_72, %get3A_73] {strides = array<i32>} : memref<50x128xi32, #tpu.memory_space<vmem>>, vector<1x16xi32>,
    %get3A_75 = vector.shape_cast %get3A_74 : vector<1x16xi32> to vector<16xi32>
    %add3A_76 = arith.constant 1 : i32
    %add3A_77 = vector.broadcast %add3A_76 : i32 to vector<16xi32>
    %add3A_78 = arith.addi %get3A_75, %add3A_77 : vector<16xi32>
    %swap3A_79 = arith.constant 0 : i32
    %swap3A_80 = arith.index_cast %swap3A_79 : i32 to index
    %swap3A_81 = arith.constant 80 : index
    %swap3A_82 = tpu.vector_load %arg5[%swap3A_80, %swap3A_81] {strides = array<i32>} : memref<50x128xi32, #tpu.memory_space<vmem>>, vector<1x16xi32>,
    %swap3A_83 = vector.shape_cast %swap3A_82 : vector<1x16xi32> to vector<16xi32>
    %swap3A_84 = vector.shape_cast %add3A_78 : vector<16xi32> to vector<1x16xi32>
    tpu.vector_store %arg5[%swap3A_80, %swap3A_81], %swap3A_84 {strides = array<i32>} : memref<50x128xi32, #tpu.memory_space<vmem>>, vector<1x16xi32>,
    %get3A_85 = arith.constant 0 : i32
    %get3A_86 = arith.index_cast %get3A_85 : i32 to index
    %get3A_87 = arith.constant 96 : index
    %get3A_88 = tpu.vector_load %arg5[%get3A_86, %get3A_87] {strides = array<i32>} : memref<50x128xi32, #tpu.memory_space<vmem>>, vector<1x16xi32>,
    %get3A_89 = vector.shape_cast %get3A_88 : vector<1x16xi32> to vector<16xi32>
    %add3A_90 = arith.constant 1 : i32
    %add3A_91 = vector.broadcast %add3A_90 : i32 to vector<16xi32>
    %add3A_92 = arith.addi %get3A_89, %add3A_91 : vector<16xi32>
    %swap3A_93 = arith.constant 0 : i32
    %swap3A_94 = arith.index_cast %swap3A_93 : i32 to index
    %swap3A_95 = arith.constant 96 : index
    %swap3A_96 = tpu.vector_load %arg5[%swap3A_94, %swap3A_95] {strides = array<i32>} : memref<50x128xi32, #tpu.memory_space<vmem>>, vector<1x16xi32>,
    %swap3A_97 = vector.shape_cast %swap3A_96 : vector<1x16xi32> to vector<16xi32>
    %swap3A_98 = vector.shape_cast %add3A_92 : vector<16xi32> to vector<1x16xi32>
    tpu.vector_store %arg5[%swap3A_94, %swap3A_95], %swap3A_98 {strides = array<i32>} : memref<50x128xi32, #tpu.memory_space<vmem>>, vector<1x16xi32>,
    %get3A_99 = arith.constant 0 : i32
    %get3A_100 = arith.index_cast %get3A_99 : i32 to index
    %get3A_101 = arith.constant 112 : index
    %get3A_102 = tpu.vector_load %arg5[%get3A_100, %get3A_101] {strides = array<i32>} : memref<50x128xi32, #tpu.memory_space<vmem>>, vector<1x16xi32>,
    %get3A_103 = vector.shape_cast %get3A_102 : vector<1x16xi32> to vector<16xi32>
    %add3A_104 = arith.constant 1 : i32
    %add3A_105 = vector.broadcast %add3A_104 : i32 to vector<16xi32>
    %add3A_106 = arith.addi %get3A_103, %add3A_105 : vector<16xi32>
    %swap3A_107 = arith.constant 0 : i32
    %swap3A_108 = arith.index_cast %swap3A_107 : i32 to index
    %swap3A_109 = arith.constant 112 : index
    %swap3A_110 = tpu.vector_load %arg5[%swap3A_108, %swap3A_109] {strides = array<i32>} : memref<50x128xi32, #tpu.memory_space<vmem>>, vector<1x16xi32>,
    %swap3A_111 = vector.shape_cast %swap3A_110 : vector<1x16xi32> to vector<16xi32>
    %swap3A_112 = vector.shape_cast %add3A_106 : vector<16xi32> to vector<1x16xi32>
    tpu.vector_store %arg5[%swap3A_108, %swap3A_109], %swap3A_112 {strides = array<i32>} : memref<50x128xi32, #tpu.memory_space<vmem>>, vector<1x16xi32>,
    %dma_start3A = arith.constant 0 : i32
    %dma_start3A_113 = arith.constant 0 : i32
    %dma_start3A_114 = arith.constant 0 : i32
    %dma_start3A_115 = arith.constant 0 : i32
    %dma_start3A_116 = tpu.memref_slice %arg6[%dma_start3A_113, %dma_start3A_114, %dma_start3A_115] : memref<5x128x128xf32, #tpu.memory_space<vmem>> -> memref<1x128x128xf32, #tpu.memory_space<vmem>>
    %dma_start3A_117 = tpu.memref_squeeze %dma_start3A_116 : memref<1x128x128xf32, #tpu.memory_space<vmem>> -> memref<128x128xf32, #tpu.memory_space<vmem>>
    %dma_start3A_118 = arith.constant 0 : i32
    %dma_start3A_119 = tpu.memref_slice %arg5[%dma_start3A, %dma_start3A_118] : memref<50x128xi32, #tpu.memory_space<vmem>> -> memref<1x128xi32, #tpu.memory_space<vmem>>
    %dma_start3A_120 = tpu.memref_squeeze %dma_start3A_119 : memref<1x128xi32, #tpu.memory_space<vmem>> -> memref<128xi32, #tpu.memory_space<vmem>>
    %dma_start3A_121 = arith.constant 0 : i32
    %dma_start3A_122 = arith.constant 0 : i32
    %dma_start3A_123 = tpu.memref_slice %arg3[%dma_start3A_121, %dma_start3A_122] : memref<100000x128xf32, #tpu.memory_space<hbm>> -> memref<100000x128xf32, #tpu.memory_space<hbm>>
    tpu.enqueue_indirect_dma source(%dma_start3A_123 : memref<100000x128xf32, #tpu.memory_space<hbm>>) target(%dma_start3A_117 : memref<128x128xf32, #tpu.memory_space<vmem>>) offsets(%dma_start3A_120 : memref<128xi32, #tpu.memory_space<vmem>>) semaphore(%arg7 : memref<!tpu.dma_semaphore, #tpu.memory_space<semaphore_mem>>)
    %get3A_124 = arith.constant 1 : i32
    %get3A_125 = arith.index_cast %get3A_124 : i32 to index
    %get3A_126 = arith.constant 0 : index
    %get3A_127 = tpu.vector_load %arg5[%get3A_125, %get3A_126] {strides = array<i32>} : memref<50x128xi32, #tpu.memory_space<vmem>>, vector<1x16xi32>,
    %get3A_128 = vector.shape_cast %get3A_127 : vector<1x16xi32> to vector<16xi32>
    %add3A_129 = arith.constant 1 : i32
    %add3A_130 = vector.broadcast %add3A_129 : i32 to vector<16xi32>
    %add3A_131 = arith.addi %get3A_128, %add3A_130 : vector<16xi32>
    %swap3A_132 = arith.constant 1 : i32
    %swap3A_133 = arith.index_cast %swap3A_132 : i32 to index
    %swap3A_134 = arith.constant 0 : index
    %swap3A_135 = tpu.vector_load %arg5[%swap3A_133, %swap3A_134] {strides = array<i32>} : memref<50x128xi32, #tpu.memory_space<vmem>>, vector<1x16xi32>,
    %swap3A_136 = vector.shape_cast %swap3A_135 : vector<1x16xi32> to vector<16xi32>
    %swap3A_137 = vector.shape_cast %add3A_131 : vector<16xi32> to vector<1x16xi32>
    tpu.vector_store %arg5[%swap3A_133, %swap3A_134], %swap3A_137 {strides = array<i32>} : memref<50x128xi32, #tpu.memory_space<vmem>>, vector<1x16xi32>,
    %get3A_138 = arith.constant 1 : i32
    %get3A_139 = arith.index_cast %get3A_138 : i32 to index
    %get3A_140 = arith.constant 16 : index
    %get3A_141 = tpu.vector_load %arg5[%get3A_139, %get3A_140] {strides = array<i32>} : memref<50x128xi32, #tpu.memory_space<vmem>>, vector<1x16xi32>,
    %get3A_142 = vector.shape_cast %get3A_141 : vector<1x16xi32> to vector<16xi32>
    %add3A_143 = arith.constant 1 : i32
    %add3A_144 = vector.broadcast %add3A_143 : i32 to vector<16xi32>
    %add3A_145 = arith.addi %get3A_142, %add3A_144 : vector<16xi32>
    %swap3A_146 = arith.constant 1 : i32
    %swap3A_147 = arith.index_cast %swap3A_146 : i32 to index
    %swap3A_148 = arith.constant 16 : index
    %swap3A_149 = tpu.vector_load %arg5[%swap3A_147, %swap3A_148] {strides = array<i32>} : memref<50x128xi32, #tpu.memory_space<vmem>>, vector<1x16xi32>,
    %swap3A_150 = vector.shape_cast %swap3A_149 : vector<1x16xi32> to vector<16xi32>
    %swap3A_151 = vector.shape_cast %add3A_145 : vector<16xi32> to vector<1x16xi32>
    tpu.vector_store %arg5[%swap3A_147, %swap3A_148], %swap3A_151 {strides = array<i32>} : memref<50x128xi32, #tpu.memory_space<vmem>>, vector<1x16xi32>,
    %get3A_152 = arith.constant 1 : i32
    %get3A_153 = arith.index_cast %get3A_152 : i32 to index
    %get3A_154 = arith.constant 32 : index
    %get3A_155 = tpu.vector_load %arg5[%get3A_153, %get3A_154] {strides = array<i32>} : memref<50x128xi32, #tpu.memory_space<vmem>>, vector<1x16xi32>,
    %get3A_156 = vector.shape_cast %get3A_155 : vector<1x16xi32> to vector<16xi32>
    %add3A_157 = arith.constant 1 : i32
    %add3A_158 = vector.broadcast %add3A_157 : i32 to vector<16xi32>
    %add3A_159 = arith.addi %get3A_156, %add3A_158 : vector<16xi32>
    %swap3A_160 = arith.constant 1 : i32
    %swap3A_161 = arith.index_cast %swap3A_160 : i32 to index
    %swap3A_162 = arith.constant 32 : index
    %swap3A_163 = tpu.vector_load %arg5[%swap3A_161, %swap3A_162] {strides = array<i32>} : memref<50x128xi32, #tpu.memory_space<vmem>>, vector<1x16xi32>,
    %swap3A_164 = vector.shape_cast %swap3A_163 : vector<1x16xi32> to vector<16xi32>
    %swap3A_165 = vector.shape_cast %add3A_159 : vector<16xi32> to vector<1x16xi32>
    tpu.vector_store %arg5[%swap3A_161, %swap3A_162], %swap3A_165 {strides = array<i32>} : memref<50x128xi32, #tpu.memory_space<vmem>>, vector<1x16xi32>,
    %get3A_166 = arith.constant 1 : i32
    %get3A_167 = arith.index_cast %get3A_166 : i32 to index
    %get3A_168 = arith.constant 48 : index
    %get3A_169 = tpu.vector_load %arg5[%get3A_167, %get3A_168] {strides = array<i32>} : memref<50x128xi32, #tpu.memory_space<vmem>>, vector<1x16xi32>,
    %get3A_170 = vector.shape_cast %get3A_169 : vector<1x16xi32> to vector<16xi32>
    %add3A_171 = arith.constant 1 : i32
    %add3A_172 = vector.broadcast %add3A_171 : i32 to vector<16xi32>
    %add3A_173 = arith.addi %get3A_170, %add3A_172 : vector<16xi32>
    %swap3A_174 = arith.constant 1 : i32
    %swap3A_175 = arith.index_cast %swap3A_174 : i32 to index
    %swap3A_176 = arith.constant 48 : index
    %swap3A_177 = tpu.vector_load %arg5[%swap3A_175, %swap3A_176] {strides = array<i32>} : memref<50x128xi32, #tpu.memory_space<vmem>>, vector<1x16xi32>,
    %swap3A_178 = vector.shape_cast %swap3A_177 : vector<1x16xi32> to vector<16xi32>
    %swap3A_179 = vector.shape_cast %add3A_173 : vector<16xi32> to vector<1x16xi32>
    tpu.vector_store %arg5[%swap3A_175, %swap3A_176], %swap3A_179 {strides = array<i32>} : memref<50x128xi32, #tpu.memory_space<vmem>>, vector<1x16xi32>,
    %get3A_180 = arith.constant 1 : i32
    %get3A_181 = arith.index_cast %get3A_180 : i32 to index
    %get3A_182 = arith.constant 64 : index
    %get3A_183 = tpu.vector_load %arg5[%get3A_181, %get3A_182] {strides = array<i32>} : memref<50x128xi32, #tpu.memory_space<vmem>>, vector<1x16xi32>,
    %get3A_184 = vector.shape_cast %get3A_183 : vector<1x16xi32> to vector<16xi32>
    %add3A_185 = arith.constant 1 : i32
    %add3A_186 = vector.broadcast %add3A_185 : i32 to vector<16xi32>
    %add3A_187 = arith.addi %get3A_184, %add3A_186 : vector<16xi32>
    %swap3A_188 = arith.constant 1 : i32
    %swap3A_189 = arith.index_cast %swap3A_188 : i32 to index
    %swap3A_190 = arith.constant 64 : index
    %swap3A_191 = tpu.vector_load %arg5[%swap3A_189, %swap3A_190] {strides = array<i32>} : memref<50x128xi32, #tpu.memory_space<vmem>>, vector<1x16xi32>,
    %swap3A_192 = vector.shape_cast %swap3A_191 : vector<1x16xi32> to vector<16xi32>
    %swap3A_193 = vector.shape_cast %add3A_187 : vector<16xi32> to vector<1x16xi32>
    tpu.vector_store %arg5[%swap3A_189, %swap3A_190], %swap3A_193 {strides = array<i32>} : memref<50x128xi32, #tpu.memory_space<vmem>>, vector<1x16xi32>,
    %get3A_194 = arith.constant 1 : i32
    %get3A_195 = arith.index_cast %get3A_194 : i32 to index
    %get3A_196 = arith.constant 80 : index
    %get3A_197 = tpu.vector_load %arg5[%get3A_195, %get3A_196] {strides = array<i32>} : memref<50x128xi32, #tpu.memory_space<vmem>>, vector<1x16xi32>,
    %get3A_198 = vector.shape_cast %get3A_197 : vector<1x16xi32> to vector<16xi32>
    %add3A_199 = arith.constant 1 : i32
    %add3A_200 = vector.broadcast %add3A_199 : i32 to vector<16xi32>
    %add3A_201 = arith.addi %get3A_198, %add3A_200 : vector<16xi32>
    %swap3A_202 = arith.constant 1 : i32
    %swap3A_203 = arith.index_cast %swap3A_202 : i32 to index
    %swap3A_204 = arith.constant 80 : index
    %swap3A_205 = tpu.vector_load %arg5[%swap3A_203, %swap3A_204] {strides = array<i32>} : memref<50x128xi32, #tpu.memory_space<vmem>>, vector<1x16xi32>,
    %swap3A_206 = vector.shape_cast %swap3A_205 : vector<1x16xi32> to vector<16xi32>
    %swap3A_207 = vector.shape_cast %add3A_201 : vector<16xi32> to vector<1x16xi32>
    tpu.vector_store %arg5[%swap3A_203, %swap3A_204], %swap3A_207 {strides = array<i32>} : memref<50x128xi32, #tpu.memory_space<vmem>>, vector<1x16xi32>,
    %get3A_208 = arith.constant 1 : i32
    %get3A_209 = arith.index_cast %get3A_208 : i32 to index
    %get3A_210 = arith.constant 96 : index
    %get3A_211 = tpu.vector_load %arg5[%get3A_209, %get3A_210] {strides = array<i32>} : memref<50x128xi32, #tpu.memory_space<vmem>>, vector<1x16xi32>,
    %get3A_212 = vector.shape_cast %get3A_211 : vector<1x16xi32> to vector<16xi32>
    %add3A_213 = arith.constant 1 : i32
    %add3A_214 = vector.broadcast %add3A_213 : i32 to vector<16xi32>
    %add3A_215 = arith.addi %get3A_212, %add3A_214 : vector<16xi32>
    %swap3A_216 = arith.constant 1 : i32
    %swap3A_217 = arith.index_cast %swap3A_216 : i32 to index
    %swap3A_218 = arith.constant 96 : index
    %swap3A_219 = tpu.vector_load %arg5[%swap3A_217, %swap3A_218] {strides = array<i32>} : memref<50x128xi32, #tpu.memory_space<vmem>>, vector<1x16xi32>,
    %swap3A_220 = vector.shape_cast %swap3A_219 : vector<1x16xi32> to vector<16xi32>
    %swap3A_221 = vector.shape_cast %add3A_215 : vector<16xi32> to vector<1x16xi32>
    tpu.vector_store %arg5[%swap3A_217, %swap3A_218], %swap3A_221 {strides = array<i32>} : memref<50x128xi32, #tpu.memory_space<vmem>>, vector<1x16xi32>,
    %get3A_222 = arith.constant 1 : i32
    %get3A_223 = arith.index_cast %get3A_222 : i32 to index
    %get3A_224 = arith.constant 112 : index
    %get3A_225 = tpu.vector_load %arg5[%get3A_223, %get3A_224] {strides = array<i32>} : memref<50x128xi32, #tpu.memory_space<vmem>>, vector<1x16xi32>,
    %get3A_226 = vector.shape_cast %get3A_225 : vector<1x16xi32> to vector<16xi32>
    %add3A_227 = arith.constant 1 : i32
    %add3A_228 = vector.broadcast %add3A_227 : i32 to vector<16xi32>
    %add3A_229 = arith.addi %get3A_226, %add3A_228 : vector<16xi32>
    %swap3A_230 = arith.constant 1 : i32
    %swap3A_231 = arith.index_cast %swap3A_230 : i32 to index
    %swap3A_232 = arith.constant 112 : index
    %swap3A_233 = tpu.vector_load %arg5[%swap3A_231, %swap3A_232] {strides = array<i32>} : memref<50x128xi32, #tpu.memory_space<vmem>>, vector<1x16xi32>,
    %swap3A_234 = vector.shape_cast %swap3A_233 : vector<1x16xi32> to vector<16xi32>
    %swap3A_235 = vector.shape_cast %add3A_229 : vector<16xi32> to vector<1x16xi32>
    tpu.vector_store %arg5[%swap3A_231, %swap3A_232], %swap3A_235 {strides = array<i32>} : memref<50x128xi32, #tpu.memory_space<vmem>>, vector<1x16xi32>,
    %dma_start3A_236 = arith.constant 1 : i32
    %dma_start3A_237 = arith.constant 1 : i32
    %dma_start3A_238 = arith.constant 0 : i32
    %dma_start3A_239 = arith.constant 0 : i32
    %dma_start3A_240 = tpu.memref_slice %arg6[%dma_start3A_237, %dma_start3A_238, %dma_start3A_239] : memref<5x128x128xf32, #tpu.memory_space<vmem>> -> memref<1x128x128xf32, #tpu.memory_space<vmem>>
    %dma_start3A_241 = tpu.memref_squeeze %dma_start3A_240 : memref<1x128x128xf32, #tpu.memory_space<vmem>> -> memref<128x128xf32, #tpu.memory_space<vmem>>
    %dma_start3A_242 = arith.constant 0 : i32
    %dma_start3A_243 = tpu.memref_slice %arg5[%dma_start3A_236, %dma_start3A_242] : memref<50x128xi32, #tpu.memory_space<vmem>> -> memref<1x128xi32, #tpu.memory_space<vmem>>
    %dma_start3A_244 = tpu.memref_squeeze %dma_start3A_243 : memref<1x128xi32, #tpu.memory_space<vmem>> -> memref<128xi32, #tpu.memory_space<vmem>>
    %dma_start3A_245 = arith.constant 0 : i32
    %dma_start3A_246 = arith.constant 0 : i32
    %dma_start3A_247 = tpu.memref_slice %arg3[%dma_start3A_245, %dma_start3A_246] : memref<100000x128xf32, #tpu.memory_space<hbm>> -> memref<100000x128xf32, #tpu.memory_space<hbm>>
    tpu.enqueue_indirect_dma source(%dma_start3A_247 : memref<100000x128xf32, #tpu.memory_space<hbm>>) target(%dma_start3A_241 : memref<128x128xf32, #tpu.memory_space<vmem>>) offsets(%dma_start3A_244 : memref<128xi32, #tpu.memory_space<vmem>>) semaphore(%arg8 : memref<!tpu.dma_semaphore, #tpu.memory_space<semaphore_mem>>)
    %get3A_248 = arith.constant 2 : i32
    %get3A_249 = arith.index_cast %get3A_248 : i32 to index
    %get3A_250 = arith.constant 0 : index
    %get3A_251 = tpu.vector_load %arg5[%get3A_249, %get3A_250] {strides = array<i32>} : memref<50x128xi32, #tpu.memory_space<vmem>>, vector<1x16xi32>,
    %get3A_252 = vector.shape_cast %get3A_251 : vector<1x16xi32> to vector<16xi32>
    %add3A_253 = arith.constant 1 : i32
    %add3A_254 = vector.broadcast %add3A_253 : i32 to vector<16xi32>
    %add3A_255 = arith.addi %get3A_252, %add3A_254 : vector<16xi32>
    %swap3A_256 = arith.constant 2 : i32
    %swap3A_257 = arith.index_cast %swap3A_256 : i32 to index
    %swap3A_258 = arith.constant 0 : index
    %swap3A_259 = tpu.vector_load %arg5[%swap3A_257, %swap3A_258] {strides = array<i32>} : memref<50x128xi32, #tpu.memory_space<vmem>>, vector<1x16xi32>,
    %swap3A_260 = vector.shape_cast %swap3A_259 : vector<1x16xi32> to vector<16xi32>
    %swap3A_261 = vector.shape_cast %add3A_255 : vector<16xi32> to vector<1x16xi32>
    tpu.vector_store %arg5[%swap3A_257, %swap3A_258], %swap3A_261 {strides = array<i32>} : memref<50x128xi32, #tpu.memory_space<vmem>>, vector<1x16xi32>,
    %get3A_262 = arith.constant 2 : i32
    %get3A_263 = arith.index_cast %get3A_262 : i32 to index
    %get3A_264 = arith.constant 16 : index
    %get3A_265 = tpu.vector_load %arg5[%get3A_263, %get3A_264] {strides = array<i32>} : memref<50x128xi32, #tpu.memory_space<vmem>>, vector<1x16xi32>,
    %get3A_266 = vector.shape_cast %get3A_265 : vector<1x16xi32> to vector<16xi32>
    %add3A_267 = arith.constant 1 : i32
    %add3A_268 = vector.broadcast %add3A_267 : i32 to vector<16xi32>
    %add3A_269 = arith.addi %get3A_266, %add3A_268 : vector<16xi32>
    %swap3A_270 = arith.constant 2 : i32
    %swap3A_271 = arith.index_cast %swap3A_270 : i32 to index
    %swap3A_272 = arith.constant 16 : index
    %swap3A_273 = tpu.vector_load %arg5[%swap3A_271, %swap3A_272] {strides = array<i32>} : memref<50x128xi32, #tpu.memory_space<vmem>>, vector<1x16xi32>,
    %swap3A_274 = vector.shape_cast %swap3A_273 : vector<1x16xi32> to vector<16xi32>
    %swap3A_275 = vector.shape_cast %add3A_269 : vector<16xi32> to vector<1x16xi32>
    tpu.vector_store %arg5[%swap3A_271, %swap3A_272], %swap3A_275 {strides = array<i32>} : memref<50x128xi32, #tpu.memory_space<vmem>>, vector<1x16xi32>,
    %get3A_276 = arith.constant 2 : i32
    %get3A_277 = arith.index_cast %get3A_276 : i32 to index
    %get3A_278 = arith.constant 32 : index
    %get3A_279 = tpu.vector_load %arg5[%get3A_277, %get3A_278] {strides = array<i32>} : memref<50x128xi32, #tpu.memory_space<vmem>>, vector<1x16xi32>,
    %get3A_280 = vector.shape_cast %get3A_279 : vector<1x16xi32> to vector<16xi32>
    %add3A_281 = arith.constant 1 : i32
    %add3A_282 = vector.broadcast %add3A_281 : i32 to vector<16xi32>
    %add3A_283 = arith.addi %get3A_280, %add3A_282 : vector<16xi32>
    %swap3A_284 = arith.constant 2 : i32
    %swap3A_285 = arith.index_cast %swap3A_284 : i32 to index
    %swap3A_286 = arith.constant 32 : index
    %swap3A_287 = tpu.vector_load %arg5[%swap3A_285, %swap3A_286] {strides = array<i32>} : memref<50x128xi32, #tpu.memory_space<vmem>>, vector<1x16xi32>,
    %swap3A_288 = vector.shape_cast %swap3A_287 : vector<1x16xi32> to vector<16xi32>
    %swap3A_289 = vector.shape_cast %add3A_283 : vector<16xi32> to vector<1x16xi32>
    tpu.vector_store %arg5[%swap3A_285, %swap3A_286], %swap3A_289 {strides = array<i32>} : memref<50x128xi32, #tpu.memory_space<vmem>>, vector<1x16xi32>,
    %get3A_290 = arith.constant 2 : i32
    %get3A_291 = arith.index_cast %get3A_290 : i32 to index
    %get3A_292 = arith.constant 48 : index
    %get3A_293 = tpu.vector_load %arg5[%get3A_291, %get3A_292] {strides = array<i32>} : memref<50x128xi32, #tpu.memory_space<vmem>>, vector<1x16xi32>,
    %get3A_294 = vector.shape_cast %get3A_293 : vector<1x16xi32> to vector<16xi32>
    %add3A_295 = arith.constant 1 : i32
    %add3A_296 = vector.broadcast %add3A_295 : i32 to vector<16xi32>
    %add3A_297 = arith.addi %get3A_294, %add3A_296 : vector<16xi32>
    %swap3A_298 = arith.constant 2 : i32
    %swap3A_299 = arith.index_cast %swap3A_298 : i32 to index
    %swap3A_300 = arith.constant 48 : index
    %swap3A_301 = tpu.vector_load %arg5[%swap3A_299, %swap3A_300] {strides = array<i32>} : memref<50x128xi32, #tpu.memory_space<vmem>>, vector<1x16xi32>,
    %swap3A_302 = vector.shape_cast %swap3A_301 : vector<1x16xi32> to vector<16xi32>
    %swap3A_303 = vector.shape_cast %add3A_297 : vector<16xi32> to vector<1x16xi32>
    tpu.vector_store %arg5[%swap3A_299, %swap3A_300], %swap3A_303 {strides = array<i32>} : memref<50x128xi32, #tpu.memory_space<vmem>>, vector<1x16xi32>,
    %get3A_304 = arith.constant 2 : i32
    %get3A_305 = arith.index_cast %get3A_304 : i32 to index
    %get3A_306 = arith.constant 64 : index
    %get3A_307 = tpu.vector_load %arg5[%get3A_305, %get3A_306] {strides = array<i32>} : memref<50x128xi32, #tpu.memory_space<vmem>>, vector<1x16xi32>,
    %get3A_308 = vector.shape_cast %get3A_307 : vector<1x16xi32> to vector<16xi32>
    %add3A_309 = arith.constant 1 : i32
    %add3A_310 = vector.broadcast %add3A_309 : i32 to vector<16xi32>
    %add3A_311 = arith.addi %get3A_308, %add3A_310 : vector<16xi32>
    %swap3A_312 = arith.constant 2 : i32
    %swap3A_313 = arith.index_cast %swap3A_312 : i32 to index
    %swap3A_314 = arith.constant 64 : index
    %swap3A_315 = tpu.vector_load %arg5[%swap3A_313, %swap3A_314] {strides = array<i32>} : memref<50x128xi32, #tpu.memory_space<vmem>>, vector<1x16xi32>,
    %swap3A_316 = vector.shape_cast %swap3A_315 : vector<1x16xi32> to vector<16xi32>
    %swap3A_317 = vector.shape_cast %add3A_311 : vector<16xi32> to vector<1x16xi32>
    tpu.vector_store %arg5[%swap3A_313, %swap3A_314], %swap3A_317 {strides = array<i32>} : memref<50x128xi32, #tpu.memory_space<vmem>>, vector<1x16xi32>,
    %get3A_318 = arith.constant 2 : i32
    %get3A_319 = arith.index_cast %get3A_318 : i32 to index
    %get3A_320 = arith.constant 80 : index
    %get3A_321 = tpu.vector_load %arg5[%get3A_319, %get3A_320] {strides = array<i32>} : memref<50x128xi32, #tpu.memory_space<vmem>>, vector<1x16xi32>,
    %get3A_322 = vector.shape_cast %get3A_321 : vector<1x16xi32> to vector<16xi32>
    %add3A_323 = arith.constant 1 : i32
    %add3A_324 = vector.broadcast %add3A_323 : i32 to vector<16xi32>
    %add3A_325 = arith.addi %get3A_322, %add3A_324 : vector<16xi32>
    %swap3A_326 = arith.constant 2 : i32
    %swap3A_327 = arith.index_cast %swap3A_326 : i32 to index
    %swap3A_328 = arith.constant 80 : index
    %swap3A_329 = tpu.vector_load %arg5[%swap3A_327, %swap3A_328] {strides = array<i32>} : memref<50x128xi32, #tpu.memory_space<vmem>>, vector<1x16xi32>,
    %swap3A_330 = vector.shape_cast %swap3A_329 : vector<1x16xi32> to vector<16xi32>
    %swap3A_331 = vector.shape_cast %add3A_325 : vector<16xi32> to vector<1x16xi32>
    tpu.vector_store %arg5[%swap3A_327, %swap3A_328], %swap3A_331 {strides = array<i32>} : memref<50x128xi32, #tpu.memory_space<vmem>>, vector<1x16xi32>,
    %get3A_332 = arith.constant 2 : i32
    %get3A_333 = arith.index_cast %get3A_332 : i32 to index
    %get3A_334 = arith.constant 96 : index
    %get3A_335 = tpu.vector_load %arg5[%get3A_333, %get3A_334] {strides = array<i32>} : memref<50x128xi32, #tpu.memory_space<vmem>>, vector<1x16xi32>,
    %get3A_336 = vector.shape_cast %get3A_335 : vector<1x16xi32> to vector<16xi32>
    %add3A_337 = arith.constant 1 : i32
    %add3A_338 = vector.broadcast %add3A_337 : i32 to vector<16xi32>
    %add3A_339 = arith.addi %get3A_336, %add3A_338 : vector<16xi32>
    %swap3A_340 = arith.constant 2 : i32
    %swap3A_341 = arith.index_cast %swap3A_340 : i32 to index
    %swap3A_342 = arith.constant 96 : index
    %swap3A_343 = tpu.vector_load %arg5[%swap3A_341, %swap3A_342] {strides = array<i32>} : memref<50x128xi32, #tpu.memory_space<vmem>>, vector<1x16xi32>,
    %swap3A_344 = vector.shape_cast %swap3A_343 : vector<1x16xi32> to vector<16xi32>
    %swap3A_345 = vector.shape_cast %add3A_339 : vector<16xi32> to vector<1x16xi32>
    tpu.vector_store %arg5[%swap3A_341, %swap3A_342], %swap3A_345 {strides = array<i32>} : memref<50x128xi32, #tpu.memory_space<vmem>>, vector<1x16xi32>,
    %get3A_346 = arith.constant 2 : i32
    %get3A_347 = arith.index_cast %get3A_346 : i32 to index
    %get3A_348 = arith.constant 112 : index
    %get3A_349 = tpu.vector_load %arg5[%get3A_347, %get3A_348] {strides = array<i32>} : memref<50x128xi32, #tpu.memory_space<vmem>>, vector<1x16xi32>,
    %get3A_350 = vector.shape_cast %get3A_349 : vector<1x16xi32> to vector<16xi32>
    %add3A_351 = arith.constant 1 : i32
    %add3A_352 = vector.broadcast %add3A_351 : i32 to vector<16xi32>
    %add3A_353 = arith.addi %get3A_350, %add3A_352 : vector<16xi32>
    %swap3A_354 = arith.constant 2 : i32
    %swap3A_355 = arith.index_cast %swap3A_354 : i32 to index
    %swap3A_356 = arith.constant 112 : index
    %swap3A_357 = tpu.vector_load %arg5[%swap3A_355, %swap3A_356] {strides = array<i32>} : memref<50x128xi32, #tpu.memory_space<vmem>>, vector<1x16xi32>,
    %swap3A_358 = vector.shape_cast %swap3A_357 : vector<1x16xi32> to vector<16xi32>
    %swap3A_359 = vector.shape_cast %add3A_353 : vector<16xi32> to vector<1x16xi32>
    tpu.vector_store %arg5[%swap3A_355, %swap3A_356], %swap3A_359 {strides = array<i32>} : memref<50x128xi32, #tpu.memory_space<vmem>>, vector<1x16xi32>,
    %dma_start3A_360 = arith.constant 2 : i32
    %dma_start3A_361 = arith.constant 2 : i32
    %dma_start3A_362 = arith.constant 0 : i32
    %dma_start3A_363 = arith.constant 0 : i32
    %dma_start3A_364 = tpu.memref_slice %arg6[%dma_start3A_361, %dma_start3A_362, %dma_start3A_363] : memref<5x128x128xf32, #tpu.memory_space<vmem>> -> memref<1x128x128xf32, #tpu.memory_space<vmem>>
    %dma_start3A_365 = tpu.memref_squeeze %dma_start3A_364 : memref<1x128x128xf32, #tpu.memory_space<vmem>> -> memref<128x128xf32, #tpu.memory_space<vmem>>
    %dma_start3A_366 = arith.constant 0 : i32
    %dma_start3A_367 = tpu.memref_slice %arg5[%dma_start3A_360, %dma_start3A_366] : memref<50x128xi32, #tpu.memory_space<vmem>> -> memref<1x128xi32, #tpu.memory_space<vmem>>
    %dma_start3A_368 = tpu.memref_squeeze %dma_start3A_367 : memref<1x128xi32, #tpu.memory_space<vmem>> -> memref<128xi32, #tpu.memory_space<vmem>>
    %dma_start3A_369 = arith.constant 0 : i32
    %dma_start3A_370 = arith.constant 0 : i32
    %dma_start3A_371 = tpu.memref_slice %arg3[%dma_start3A_369, %dma_start3A_370] : memref<100000x128xf32, #tpu.memory_space<hbm>> -> memref<100000x128xf32, #tpu.memory_space<hbm>>
    tpu.enqueue_indirect_dma source(%dma_start3A_371 : memref<100000x128xf32, #tpu.memory_space<hbm>>) target(%dma_start3A_365 : memref<128x128xf32, #tpu.memory_space<vmem>>) offsets(%dma_start3A_368 : memref<128xi32, #tpu.memory_space<vmem>>) semaphore(%arg9 : memref<!tpu.dma_semaphore, #tpu.memory_space<semaphore_mem>>)
    %scan3A = arith.constant 0 : i32
    %scan3A_372 = arith.constant 0 : i32
    %scan3A_373 = arith.constant 10 : i32
    %scan3A_374 = arith.addi %scan3A_372, %scan3A_373 : i32
    %scan3A_375 = arith.constant 1 : i32
    %scan3A_376 = scf.for %scan3A_409 = %scan3A_372 to %scan3A_374 step %scan3A_375 iter_args(%scan3A_410 = %scan3A) -> (i32)  : i32 {
      %mul3A_411 = arith.constant 5 : i32
      %mul3A_412 = arith.muli %scan3A_409, %mul3A_411 : i32
      %add3A_413 = arith.constant 0 : i32
      %add3A_414 = arith.addi %mul3A_412, %add3A_413 : i32
      %dma_wait3A_415 = arith.constant 0 : i32
      %dma_wait3A_416 = arith.constant 0 : i32
      %dma_wait3A_417 = arith.constant 0 : i32
      %dma_wait3A_418 = tpu.memref_slice %arg6[%dma_wait3A_415, %dma_wait3A_416, %dma_wait3A_417] : memref<5x128x128xf32, #tpu.memory_space<vmem>> -> memref<1x128x128xf32, #tpu.memory_space<vmem>>
      %dma_wait3A_419 = tpu.memref_squeeze %dma_wait3A_418 : memref<1x128x128xf32, #tpu.memory_space<vmem>> -> memref<128x128xf32, #tpu.memory_space<vmem>>
      %dma_wait3A_420 = arith.constant 0 : i32
      %dma_wait3A_421 = tpu.memref_slice %arg5[%add3A_414, %dma_wait3A_420] : memref<50x128xi32, #tpu.memory_space<vmem>> -> memref<1x128xi32, #tpu.memory_space<vmem>>
      %dma_wait3A_422 = tpu.memref_squeeze %dma_wait3A_421 : memref<1x128xi32, #tpu.memory_space<vmem>> -> memref<128xi32, #tpu.memory_space<vmem>>
      %dma_wait3A_423 = arith.constant 0 : i32
      %dma_wait3A_424 = arith.constant 0 : i32
      %dma_wait3A_425 = tpu.memref_slice %arg3[%dma_wait3A_423, %dma_wait3A_424] : memref<100000x128xf32, #tpu.memory_space<hbm>> -> memref<100000x128xf32, #tpu.memory_space<hbm>>
      tpu.wait_indirect_dma semaphore(%arg7 : memref<!tpu.dma_semaphore, #tpu.memory_space<semaphore_mem>>) src(%dma_wait3A_425 : memref<100000x128xf32, #tpu.memory_space<hbm>>) dst(%dma_wait3A_419 : memref<128x128xf32, #tpu.memory_space<vmem>>)
      %dma_start3A_426 = arith.constant 0 : i32
      %dma_start3A_427 = arith.constant 0 : i32
      %dma_start3A_428 = arith.constant 0 : i32
      %dma_start3A_429 = tpu.memref_slice %arg6[%dma_start3A_426, %dma_start3A_427, %dma_start3A_428] : memref<5x128x128xf32, #tpu.memory_space<vmem>> -> memref<1x128x128xf32, #tpu.memory_space<vmem>>
      %dma_start3A_430 = tpu.memref_squeeze %dma_start3A_429 : memref<1x128x128xf32, #tpu.memory_space<vmem>> -> memref<128x128xf32, #tpu.memory_space<vmem>>
      %dma_start3A_431 = arith.constant 0 : i32
      %dma_start3A_432 = tpu.memref_slice %arg4[%add3A_414, %mul3A_2, %dma_start3A_431] : memref<50x4096x128xf32, #tpu.memory_space<hbm>> -> memref<1x128x128xf32, #tpu.memory_space<hbm>>
      %dma_start3A_433 = tpu.memref_squeeze %dma_start3A_432 : memref<1x128x128xf32, #tpu.memory_space<hbm>> -> memref<128x128xf32, #tpu.memory_space<hbm>>
      %dma_start3A_434 = arith.constant 0 : i32
      %dma_start3A_435 = tpu.memref_slice %arg4[%add3A_414, %mul3A_2, %dma_start3A_434] : memref<50x4096x128xf32, #tpu.memory_space<hbm>> -> memref<1x128x128xf32, #tpu.memory_space<hbm>>
      %dma_start3A_436 = tpu.memref_squeeze %dma_start3A_435 : memref<1x128x128xf32, #tpu.memory_space<hbm>> -> memref<128x128xf32, #tpu.memory_space<hbm>>
      %dma_start3A_437 = arith.constant 0 : i32
      %dma_start3A_438 = arith.constant 0 : i32
      %dma_start3A_439 = tpu.memref_slice %arg6[%dma_start3A_426, %dma_start3A_437, %dma_start3A_438] : memref<5x128x128xf32, #tpu.memory_space<vmem>> -> memref<1x128x128xf32, #tpu.memory_space<vmem>>
      %dma_start3A_440 = tpu.memref_squeeze %dma_start3A_439 : memref<1x128x128xf32, #tpu.memory_space<vmem>> -> memref<128x128xf32, #tpu.memory_space<vmem>>
      tpu.enqueue_dma source(%dma_start3A_440 : memref<128x128xf32, #tpu.memory_space<vmem>>) target(%dma_start3A_436 : memref<128x128xf32, #tpu.memory_space<hbm>>) target_semaphore(%arg12 : memref<!tpu.dma_semaphore, #tpu.memory_space<semaphore_mem>>)
      %ge3A = arith.constant 2 : i32
      %ge3A_441 = arith.cmpi sge, %add3A_414, %ge3A : i32
      %convert_element_type3A = arith.extui %ge3A_441 : i1 to i32
      %cond3A = arith.constant 0 : i32
      %cond3A_442 = arith.cmpi ne, %convert_element_type3A, %cond3A : i32
      scf.if %cond3A_442 {
        %sub3A = arith.constant 2 : i32
        %sub3A_618 = arith.subi %add3A_414, %sub3A : i32
        %dma_wait3A_619 = arith.constant 3 : i32
        %dma_wait3A_620 = arith.constant 0 : i32
        %dma_wait3A_621 = arith.constant 0 : i32
        %dma_wait3A_622 = tpu.memref_slice %arg6[%dma_wait3A_619, %dma_wait3A_620, %dma_wait3A_621] : memref<5x128x128xf32, #tpu.memory_space<vmem>> -> memref<1x128x128xf32, #tpu.memory_space<vmem>>
        %dma_wait3A_623 = tpu.memref_squeeze %dma_wait3A_622 : memref<1x128x128xf32, #tpu.memory_space<vmem>> -> memref<128x128xf32, #tpu.memory_space<vmem>>
        %dma_wait3A_624 = arith.constant 0 : i32
        %dma_wait3A_625 = tpu.memref_slice %arg4[%sub3A_618, %mul3A_2, %dma_wait3A_624] : memref<50x4096x128xf32, #tpu.memory_space<hbm>> -> memref<1x128x128xf32, #tpu.memory_space<hbm>>
        %dma_wait3A_626 = tpu.memref_squeeze %dma_wait3A_625 : memref<1x128x128xf32, #tpu.memory_space<hbm>> -> memref<128x128xf32, #tpu.memory_space<hbm>>
        %dma_wait3A_627 = arith.constant 0 : i32
        %dma_wait3A_628 = tpu.memref_slice %arg4[%sub3A_618, %mul3A_2, %dma_wait3A_627] : memref<50x4096x128xf32, #tpu.memory_space<hbm>> -> memref<1x128x128xf32, #tpu.memory_space<hbm>>
        %dma_wait3A_629 = tpu.memref_squeeze %dma_wait3A_628 : memref<1x128x128xf32, #tpu.memory_space<hbm>> -> memref<128x128xf32, #tpu.memory_space<hbm>>
        %dma_wait3A_630 = arith.constant 0 : i32
        %dma_wait3A_631 = arith.constant 0 : i32
        %dma_wait3A_632 = tpu.memref_slice %arg6[%dma_wait3A_619, %dma_wait3A_630, %dma_wait3A_631] : memref<5x128x128xf32, #tpu.memory_space<vmem>> -> memref<1x128x128xf32, #tpu.memory_space<vmem>>
        %dma_wait3A_633 = tpu.memref_squeeze %dma_wait3A_632 : memref<1x128x128xf32, #tpu.memory_space<vmem>> -> memref<128x128xf32, #tpu.memory_space<vmem>>
        tpu.wait_dma2 semaphore(%arg15 : memref<!tpu.dma_semaphore, #tpu.memory_space<semaphore_mem>>) src(%dma_wait3A_633 : memref<128x128xf32, #tpu.memory_space<vmem>>) dst(%dma_wait3A_629 : memref<128x128xf32, #tpu.memory_space<hbm>>)
      } else {
      }
      %add3A_443 = arith.constant 3 : i32
      %add3A_444 = arith.addi %add3A_414, %add3A_443 : i32
      %lt3A = arith.constant 50 : i32
      %lt3A_445 = arith.cmpi slt, %add3A_444, %lt3A : i32
      %convert_element_type3A_446 = arith.extui %lt3A_445 : i1 to i32
      %cond3A_447 = arith.constant 0 : i32
      %cond3A_448 = arith.cmpi ne, %convert_element_type3A_446, %cond3A_447 : i32
      scf.if %cond3A_448 {
        %add3A_618 = arith.constant 3 : i32
        %add3A_619 = arith.addi %add3A_414, %add3A_618 : i32
        %get3A_620 = arith.index_cast %add3A_619 : i32 to index
        %get3A_621 = arith.constant 0 : index
        %get3A_622 = tpu.vector_load %arg5[%get3A_620, %get3A_621] {strides = array<i32>} : memref<50x128xi32, #tpu.memory_space<vmem>>, vector<1x16xi32>,
        %get3A_623 = vector.shape_cast %get3A_622 : vector<1x16xi32> to vector<16xi32>
        %add3A_624 = arith.constant 1 : i32
        %add3A_625 = vector.broadcast %add3A_624 : i32 to vector<16xi32>
        %add3A_626 = arith.addi %get3A_623, %add3A_625 : vector<16xi32>
        %swap3A_627 = arith.index_cast %add3A_619 : i32 to index
        %swap3A_628 = arith.constant 0 : index
        %swap3A_629 = tpu.vector_load %arg5[%swap3A_627, %swap3A_628] {strides = array<i32>} : memref<50x128xi32, #tpu.memory_space<vmem>>, vector<1x16xi32>,
        %swap3A_630 = vector.shape_cast %swap3A_629 : vector<1x16xi32> to vector<16xi32>
        %swap3A_631 = vector.shape_cast %add3A_626 : vector<16xi32> to vector<1x16xi32>
        tpu.vector_store %arg5[%swap3A_627, %swap3A_628], %swap3A_631 {strides = array<i32>} : memref<50x128xi32, #tpu.memory_space<vmem>>, vector<1x16xi32>,
        %get3A_632 = arith.index_cast %add3A_619 : i32 to index
        %get3A_633 = arith.constant 16 : index
        %get3A_634 = tpu.vector_load %arg5[%get3A_632, %get3A_633] {strides = array<i32>} : memref<50x128xi32, #tpu.memory_space<vmem>>, vector<1x16xi32>,
        %get3A_635 = vector.shape_cast %get3A_634 : vector<1x16xi32> to vector<16xi32>
        %add3A_636 = arith.constant 1 : i32
        %add3A_637 = vector.broadcast %add3A_636 : i32 to vector<16xi32>
        %add3A_638 = arith.addi %get3A_635, %add3A_637 : vector<16xi32>
        %swap3A_639 = arith.index_cast %add3A_619 : i32 to index
        %swap3A_640 = arith.constant 16 : index
        %swap3A_641 = tpu.vector_load %arg5[%swap3A_639, %swap3A_640] {strides = array<i32>} : memref<50x128xi32, #tpu.memory_space<vmem>>, vector<1x16xi32>,
        %swap3A_642 = vector.shape_cast %swap3A_641 : vector<1x16xi32> to vector<16xi32>
        %swap3A_643 = vector.shape_cast %add3A_638 : vector<16xi32> to vector<1x16xi32>
        tpu.vector_store %arg5[%swap3A_639, %swap3A_640], %swap3A_643 {strides = array<i32>} : memref<50x128xi32, #tpu.memory_space<vmem>>, vector<1x16xi32>,
        %get3A_644 = arith.index_cast %add3A_619 : i32 to index
        %get3A_645 = arith.constant 32 : index
        %get3A_646 = tpu.vector_load %arg5[%get3A_644, %get3A_645] {strides = array<i32>} : memref<50x128xi32, #tpu.memory_space<vmem>>, vector<1x16xi32>,
        %get3A_647 = vector.shape_cast %get3A_646 : vector<1x16xi32> to vector<16xi32>
        %add3A_648 = arith.constant 1 : i32
        %add3A_649 = vector.broadcast %add3A_648 : i32 to vector<16xi32>
        %add3A_650 = arith.addi %get3A_647, %add3A_649 : vector<16xi32>
        %swap3A_651 = arith.index_cast %add3A_619 : i32 to index
        %swap3A_652 = arith.constant 32 : index
        %swap3A_653 = tpu.vector_load %arg5[%swap3A_651, %swap3A_652] {strides = array<i32>} : memref<50x128xi32, #tpu.memory_space<vmem>>, vector<1x16xi32>,
        %swap3A_654 = vector.shape_cast %swap3A_653 : vector<1x16xi32> to vector<16xi32>
        %swap3A_655 = vector.shape_cast %add3A_650 : vector<16xi32> to vector<1x16xi32>
        tpu.vector_store %arg5[%swap3A_651, %swap3A_652], %swap3A_655 {strides = array<i32>} : memref<50x128xi32, #tpu.memory_space<vmem>>, vector<1x16xi32>,
        %get3A_656 = arith.index_cast %add3A_619 : i32 to index
        %get3A_657 = arith.constant 48 : index
        %get3A_658 = tpu.vector_load %arg5[%get3A_656, %get3A_657] {strides = array<i32>} : memref<50x128xi32, #tpu.memory_space<vmem>>, vector<1x16xi32>,
        %get3A_659 = vector.shape_cast %get3A_658 : vector<1x16xi32> to vector<16xi32>
        %add3A_660 = arith.constant 1 : i32
        %add3A_661 = vector.broadcast %add3A_660 : i32 to vector<16xi32>
        %add3A_662 = arith.addi %get3A_659, %add3A_661 : vector<16xi32>
        %swap3A_663 = arith.index_cast %add3A_619 : i32 to index
        %swap3A_664 = arith.constant 48 : index
        %swap3A_665 = tpu.vector_load %arg5[%swap3A_663, %swap3A_664] {strides = array<i32>} : memref<50x128xi32, #tpu.memory_space<vmem>>, vector<1x16xi32>,
        %swap3A_666 = vector.shape_cast %swap3A_665 : vector<1x16xi32> to vector<16xi32>
        %swap3A_667 = vector.shape_cast %add3A_662 : vector<16xi32> to vector<1x16xi32>
        tpu.vector_store %arg5[%swap3A_663, %swap3A_664], %swap3A_667 {strides = array<i32>} : memref<50x128xi32, #tpu.memory_space<vmem>>, vector<1x16xi32>,
        %get3A_668 = arith.index_cast %add3A_619 : i32 to index
        %get3A_669 = arith.constant 64 : index
        %get3A_670 = tpu.vector_load %arg5[%get3A_668, %get3A_669] {strides = array<i32>} : memref<50x128xi32, #tpu.memory_space<vmem>>, vector<1x16xi32>,
        %get3A_671 = vector.shape_cast %get3A_670 : vector<1x16xi32> to vector<16xi32>
        %add3A_672 = arith.constant 1 : i32
        %add3A_673 = vector.broadcast %add3A_672 : i32 to vector<16xi32>
        %add3A_674 = arith.addi %get3A_671, %add3A_673 : vector<16xi32>
        %swap3A_675 = arith.index_cast %add3A_619 : i32 to index
        %swap3A_676 = arith.constant 64 : index
        %swap3A_677 = tpu.vector_load %arg5[%swap3A_675, %swap3A_676] {strides = array<i32>} : memref<50x128xi32, #tpu.memory_space<vmem>>, vector<1x16xi32>,
        %swap3A_678 = vector.shape_cast %swap3A_677 : vector<1x16xi32> to vector<16xi32>
        %swap3A_679 = vector.shape_cast %add3A_674 : vector<16xi32> to vector<1x16xi32>
        tpu.vector_store %arg5[%swap3A_675, %swap3A_676], %swap3A_679 {strides = array<i32>} : memref<50x128xi32, #tpu.memory_space<vmem>>, vector<1x16xi32>,
        %get3A_680 = arith.index_cast %add3A_619 : i32 to index
        %get3A_681 = arith.constant 80 : index
        %get3A_682 = tpu.vector_load %arg5[%get3A_680, %get3A_681] {strides = array<i32>} : memref<50x128xi32, #tpu.memory_space<vmem>>, vector<1x16xi32>,
        %get3A_683 = vector.shape_cast %get3A_682 : vector<1x16xi32> to vector<16xi32>
        %add3A_684 = arith.constant 1 : i32
        %add3A_685 = vector.broadcast %add3A_684 : i32 to vector<16xi32>
        %add3A_686 = arith.addi %get3A_683, %add3A_685 : vector<16xi32>
        %swap3A_687 = arith.index_cast %add3A_619 : i32 to index
        %swap3A_688 = arith.constant 80 : index
        %swap3A_689 = tpu.vector_load %arg5[%swap3A_687, %swap3A_688] {strides = array<i32>} : memref<50x128xi32, #tpu.memory_space<vmem>>, vector<1x16xi32>,
        %swap3A_690 = vector.shape_cast %swap3A_689 : vector<1x16xi32> to vector<16xi32>
        %swap3A_691 = vector.shape_cast %add3A_686 : vector<16xi32> to vector<1x16xi32>
        tpu.vector_store %arg5[%swap3A_687, %swap3A_688], %swap3A_691 {strides = array<i32>} : memref<50x128xi32, #tpu.memory_space<vmem>>, vector<1x16xi32>,
        %get3A_692 = arith.index_cast %add3A_619 : i32 to index
        %get3A_693 = arith.constant 96 : index
        %get3A_694 = tpu.vector_load %arg5[%get3A_692, %get3A_693] {strides = array<i32>} : memref<50x128xi32, #tpu.memory_space<vmem>>, vector<1x16xi32>,
        %get3A_695 = vector.shape_cast %get3A_694 : vector<1x16xi32> to vector<16xi32>
        %add3A_696 = arith.constant 1 : i32
        %add3A_697 = vector.broadcast %add3A_696 : i32 to vector<16xi32>
        %add3A_698 = arith.addi %get3A_695, %add3A_697 : vector<16xi32>
        %swap3A_699 = arith.index_cast %add3A_619 : i32 to index
        %swap3A_700 = arith.constant 96 : index
        %swap3A_701 = tpu.vector_load %arg5[%swap3A_699, %swap3A_700] {strides = array<i32>} : memref<50x128xi32, #tpu.memory_space<vmem>>, vector<1x16xi32>,
        %swap3A_702 = vector.shape_cast %swap3A_701 : vector<1x16xi32> to vector<16xi32>
        %swap3A_703 = vector.shape_cast %add3A_698 : vector<16xi32> to vector<1x16xi32>
        tpu.vector_store %arg5[%swap3A_699, %swap3A_700], %swap3A_703 {strides = array<i32>} : memref<50x128xi32, #tpu.memory_space<vmem>>, vector<1x16xi32>,
        %get3A_704 = arith.index_cast %add3A_619 : i32 to index
        %get3A_705 = arith.constant 112 : index
        %get3A_706 = tpu.vector_load %arg5[%get3A_704, %get3A_705] {strides = array<i32>} : memref<50x128xi32, #tpu.memory_space<vmem>>, vector<1x16xi32>,
        %get3A_707 = vector.shape_cast %get3A_706 : vector<1x16xi32> to vector<16xi32>
        %add3A_708 = arith.constant 1 : i32
        %add3A_709 = vector.broadcast %add3A_708 : i32 to vector<16xi32>
        %add3A_710 = arith.addi %get3A_707, %add3A_709 : vector<16xi32>
        %swap3A_711 = arith.index_cast %add3A_619 : i32 to index
        %swap3A_712 = arith.constant 112 : index
        %swap3A_713 = tpu.vector_load %arg5[%swap3A_711, %swap3A_712] {strides = array<i32>} : memref<50x128xi32, #tpu.memory_space<vmem>>, vector<1x16xi32>,
        %swap3A_714 = vector.shape_cast %swap3A_713 : vector<1x16xi32> to vector<16xi32>
        %swap3A_715 = vector.shape_cast %add3A_710 : vector<16xi32> to vector<1x16xi32>
        tpu.vector_store %arg5[%swap3A_711, %swap3A_712], %swap3A_715 {strides = array<i32>} : memref<50x128xi32, #tpu.memory_space<vmem>>, vector<1x16xi32>,
        %add3A_716 = arith.constant 3 : i32
        %add3A_717 = arith.addi %add3A_414, %add3A_716 : i32
        %dma_start3A_718 = arith.constant 3 : i32
        %dma_start3A_719 = arith.constant 0 : i32
        %dma_start3A_720 = arith.constant 0 : i32
        %dma_start3A_721 = tpu.memref_slice %arg6[%dma_start3A_718, %dma_start3A_719, %dma_start3A_720] : memref<5x128x128xf32, #tpu.memory_space<vmem>> -> memref<1x128x128xf32, #tpu.memory_space<vmem>>
        %dma_start3A_722 = tpu.memref_squeeze %dma_start3A_721 : memref<1x128x128xf32, #tpu.memory_space<vmem>> -> memref<128x128xf32, #tpu.memory_space<vmem>>
        %dma_start3A_723 = arith.constant 0 : i32
        %dma_start3A_724 = tpu.memref_slice %arg5[%add3A_717, %dma_start3A_723] : memref<50x128xi32, #tpu.memory_space<vmem>> -> memref<1x128xi32, #tpu.memory_space<vmem>>
        %dma_start3A_725 = tpu.memref_squeeze %dma_start3A_724 : memref<1x128xi32, #tpu.memory_space<vmem>> -> memref<128xi32, #tpu.memory_space<vmem>>
        %dma_start3A_726 = arith.constant 0 : i32
        %dma_start3A_727 = arith.constant 0 : i32
        %dma_start3A_728 = tpu.memref_slice %arg3[%dma_start3A_726, %dma_start3A_727] : memref<100000x128xf32, #tpu.memory_space<hbm>> -> memref<100000x128xf32, #tpu.memory_space<hbm>>
        tpu.enqueue_indirect_dma source(%dma_start3A_728 : memref<100000x128xf32, #tpu.memory_space<hbm>>) target(%dma_start3A_722 : memref<128x128xf32, #tpu.memory_space<vmem>>) offsets(%dma_start3A_725 : memref<128xi32, #tpu.memory_space<vmem>>) semaphore(%arg10 : memref<!tpu.dma_semaphore, #tpu.memory_space<semaphore_mem>>)
      } else {
      }
      %mul3A_449 = arith.constant 5 : i32
      %mul3A_450 = arith.muli %scan3A_409, %mul3A_449 : i32
      %add3A_451 = arith.constant 1 : i32
      %add3A_452 = arith.addi %mul3A_450, %add3A_451 : i32
      %dma_wait3A_453 = arith.constant 1 : i32
      %dma_wait3A_454 = arith.constant 0 : i32
      %dma_wait3A_455 = arith.constant 0 : i32
      %dma_wait3A_456 = tpu.memref_slice %arg6[%dma_wait3A_453, %dma_wait3A_454, %dma_wait3A_455] : memref<5x128x128xf32, #tpu.memory_space<vmem>> -> memref<1x128x128xf32, #tpu.memory_space<vmem>>
      %dma_wait3A_457 = tpu.memref_squeeze %dma_wait3A_456 : memref<1x128x128xf32, #tpu.memory_space<vmem>> -> memref<128x128xf32, #tpu.memory_space<vmem>>
      %dma_wait3A_458 = arith.constant 0 : i32
      %dma_wait3A_459 = tpu.memref_slice %arg5[%add3A_452, %dma_wait3A_458] : memref<50x128xi32, #tpu.memory_space<vmem>> -> memref<1x128xi32, #tpu.memory_space<vmem>>
      %dma_wait3A_460 = tpu.memref_squeeze %dma_wait3A_459 : memref<1x128xi32, #tpu.memory_space<vmem>> -> memref<128xi32, #tpu.memory_space<vmem>>
      %dma_wait3A_461 = arith.constant 0 : i32
      %dma_wait3A_462 = arith.constant 0 : i32
      %dma_wait3A_463 = tpu.memref_slice %arg3[%dma_wait3A_461, %dma_wait3A_462] : memref<100000x128xf32, #tpu.memory_space<hbm>> -> memref<100000x128xf32, #tpu.memory_space<hbm>>
      tpu.wait_indirect_dma semaphore(%arg8 : memref<!tpu.dma_semaphore, #tpu.memory_space<semaphore_mem>>) src(%dma_wait3A_463 : memref<100000x128xf32, #tpu.memory_space<hbm>>) dst(%dma_wait3A_457 : memref<128x128xf32, #tpu.memory_space<vmem>>)
      %dma_start3A_464 = arith.constant 1 : i32
      %dma_start3A_465 = arith.constant 0 : i32
      %dma_start3A_466 = arith.constant 0 : i32
      %dma_start3A_467 = tpu.memref_slice %arg6[%dma_start3A_464, %dma_start3A_465, %dma_start3A_466] : memref<5x128x128xf32, #tpu.memory_space<vmem>> -> memref<1x128x128xf32, #tpu.memory_space<vmem>>
      %dma_start3A_468 = tpu.memref_squeeze %dma_start3A_467 : memref<1x128x128xf32, #tpu.memory_space<vmem>> -> memref<128x128xf32, #tpu.memory_space<vmem>>
      %dma_start3A_469 = arith.constant 0 : i32
      %dma_start3A_470 = tpu.memref_slice %arg4[%add3A_452, %mul3A_2, %dma_start3A_469] : memref<50x4096x128xf32, #tpu.memory_space<hbm>> -> memref<1x128x128xf32, #tpu.memory_space<hbm>>
      %dma_start3A_471 = tpu.memref_squeeze %dma_start3A_470 : memref<1x128x128xf32, #tpu.memory_space<hbm>> -> memref<128x128xf32, #tpu.memory_space<hbm>>
      %dma_start3A_472 = arith.constant 0 : i32
      %dma_start3A_473 = tpu.memref_slice %arg4[%add3A_452, %mul3A_2, %dma_start3A_472] : memref<50x4096x128xf32, #tpu.memory_space<hbm>> -> memref<1x128x128xf32, #tpu.memory_space<hbm>>
      %dma_start3A_474 = tpu.memref_squeeze %dma_start3A_473 : memref<1x128x128xf32, #tpu.memory_space<hbm>> -> memref<128x128xf32, #tpu.memory_space<hbm>>
      %dma_start3A_475 = arith.constant 0 : i32
      %dma_start3A_476 = arith.constant 0 : i32
      %dma_start3A_477 = tpu.memref_slice %arg6[%dma_start3A_464, %dma_start3A_475, %dma_start3A_476] : memref<5x128x128xf32, #tpu.memory_space<vmem>> -> memref<1x128x128xf32, #tpu.memory_space<vmem>>
      %dma_start3A_478 = tpu.memref_squeeze %dma_start3A_477 : memref<1x128x128xf32, #tpu.memory_space<vmem>> -> memref<128x128xf32, #tpu.memory_space<vmem>>
      tpu.enqueue_dma source(%dma_start3A_478 : memref<128x128xf32, #tpu.memory_space<vmem>>) target(%dma_start3A_474 : memref<128x128xf32, #tpu.memory_space<hbm>>) target_semaphore(%arg13 : memref<!tpu.dma_semaphore, #tpu.memory_space<semaphore_mem>>)
      %ge3A_479 = arith.constant 2 : i32
      %ge3A_480 = arith.cmpi sge, %add3A_452, %ge3A_479 : i32
      %convert_element_type3A_481 = arith.extui %ge3A_480 : i1 to i32
      %cond3A_482 = arith.constant 0 : i32
      %cond3A_483 = arith.cmpi ne, %convert_element_type3A_481, %cond3A_482 : i32
      scf.if %cond3A_483 {
        %sub3A = arith.constant 2 : i32
        %sub3A_618 = arith.subi %add3A_452, %sub3A : i32
        %dma_wait3A_619 = arith.constant 4 : i32
        %dma_wait3A_620 = arith.constant 0 : i32
        %dma_wait3A_621 = arith.constant 0 : i32
        %dma_wait3A_622 = tpu.memref_slice %arg6[%dma_wait3A_619, %dma_wait3A_620, %dma_wait3A_621] : memref<5x128x128xf32, #tpu.memory_space<vmem>> -> memref<1x128x128xf32, #tpu.memory_space<vmem>>
        %dma_wait3A_623 = tpu.memref_squeeze %dma_wait3A_622 : memref<1x128x128xf32, #tpu.memory_space<vmem>> -> memref<128x128xf32, #tpu.memory_space<vmem>>
        %dma_wait3A_624 = arith.constant 0 : i32
        %dma_wait3A_625 = tpu.memref_slice %arg4[%sub3A_618, %mul3A_2, %dma_wait3A_624] : memref<50x4096x128xf32, #tpu.memory_space<hbm>> -> memref<1x128x128xf32, #tpu.memory_space<hbm>>
        %dma_wait3A_626 = tpu.memref_squeeze %dma_wait3A_625 : memref<1x128x128xf32, #tpu.memory_space<hbm>> -> memref<128x128xf32, #tpu.memory_space<hbm>>
        %dma_wait3A_627 = arith.constant 0 : i32
        %dma_wait3A_628 = tpu.memref_slice %arg4[%sub3A_618, %mul3A_2, %dma_wait3A_627] : memref<50x4096x128xf32, #tpu.memory_space<hbm>> -> memref<1x128x128xf32, #tpu.memory_space<hbm>>
        %dma_wait3A_629 = tpu.memref_squeeze %dma_wait3A_628 : memref<1x128x128xf32, #tpu.memory_space<hbm>> -> memref<128x128xf32, #tpu.memory_space<hbm>>
        %dma_wait3A_630 = arith.constant 0 : i32
        %dma_wait3A_631 = arith.constant 0 : i32
        %dma_wait3A_632 = tpu.memref_slice %arg6[%dma_wait3A_619, %dma_wait3A_630, %dma_wait3A_631] : memref<5x128x128xf32, #tpu.memory_space<vmem>> -> memref<1x128x128xf32, #tpu.memory_space<vmem>>
        %dma_wait3A_633 = tpu.memref_squeeze %dma_wait3A_632 : memref<1x128x128xf32, #tpu.memory_space<vmem>> -> memref<128x128xf32, #tpu.memory_space<vmem>>
        tpu.wait_dma2 semaphore(%arg16 : memref<!tpu.dma_semaphore, #tpu.memory_space<semaphore_mem>>) src(%dma_wait3A_633 : memref<128x128xf32, #tpu.memory_space<vmem>>) dst(%dma_wait3A_629 : memref<128x128xf32, #tpu.memory_space<hbm>>)
      } else {
      }
      %add3A_484 = arith.constant 3 : i32
      %add3A_485 = arith.addi %add3A_452, %add3A_484 : i32
      %lt3A_486 = arith.constant 50 : i32
      %lt3A_487 = arith.cmpi slt, %add3A_485, %lt3A_486 : i32
      %convert_element_type3A_488 = arith.extui %lt3A_487 : i1 to i32
      %cond3A_489 = arith.constant 0 : i32
      %cond3A_490 = arith.cmpi ne, %convert_element_type3A_488, %cond3A_489 : i32
      scf.if %cond3A_490 {
        %add3A_618 = arith.constant 3 : i32
        %add3A_619 = arith.addi %add3A_452, %add3A_618 : i32
        %get3A_620 = arith.index_cast %add3A_619 : i32 to index
        %get3A_621 = arith.constant 0 : index
        %get3A_622 = tpu.vector_load %arg5[%get3A_620, %get3A_621] {strides = array<i32>} : memref<50x128xi32, #tpu.memory_space<vmem>>, vector<1x16xi32>,
        %get3A_623 = vector.shape_cast %get3A_622 : vector<1x16xi32> to vector<16xi32>
        %add3A_624 = arith.constant 1 : i32
        %add3A_625 = vector.broadcast %add3A_624 : i32 to vector<16xi32>
        %add3A_626 = arith.addi %get3A_623, %add3A_625 : vector<16xi32>
        %swap3A_627 = arith.index_cast %add3A_619 : i32 to index
        %swap3A_628 = arith.constant 0 : index
        %swap3A_629 = tpu.vector_load %arg5[%swap3A_627, %swap3A_628] {strides = array<i32>} : memref<50x128xi32, #tpu.memory_space<vmem>>, vector<1x16xi32>,
        %swap3A_630 = vector.shape_cast %swap3A_629 : vector<1x16xi32> to vector<16xi32>
        %swap3A_631 = vector.shape_cast %add3A_626 : vector<16xi32> to vector<1x16xi32>
        tpu.vector_store %arg5[%swap3A_627, %swap3A_628], %swap3A_631 {strides = array<i32>} : memref<50x128xi32, #tpu.memory_space<vmem>>, vector<1x16xi32>,
        %get3A_632 = arith.index_cast %add3A_619 : i32 to index
        %get3A_633 = arith.constant 16 : index
        %get3A_634 = tpu.vector_load %arg5[%get3A_632, %get3A_633] {strides = array<i32>} : memref<50x128xi32, #tpu.memory_space<vmem>>, vector<1x16xi32>,
        %get3A_635 = vector.shape_cast %get3A_634 : vector<1x16xi32> to vector<16xi32>
        %add3A_636 = arith.constant 1 : i32
        %add3A_637 = vector.broadcast %add3A_636 : i32 to vector<16xi32>
        %add3A_638 = arith.addi %get3A_635, %add3A_637 : vector<16xi32>
        %swap3A_639 = arith.index_cast %add3A_619 : i32 to index
        %swap3A_640 = arith.constant 16 : index
        %swap3A_641 = tpu.vector_load %arg5[%swap3A_639, %swap3A_640] {strides = array<i32>} : memref<50x128xi32, #tpu.memory_space<vmem>>, vector<1x16xi32>,
        %swap3A_642 = vector.shape_cast %swap3A_641 : vector<1x16xi32> to vector<16xi32>
        %swap3A_643 = vector.shape_cast %add3A_638 : vector<16xi32> to vector<1x16xi32>
        tpu.vector_store %arg5[%swap3A_639, %swap3A_640], %swap3A_643 {strides = array<i32>} : memref<50x128xi32, #tpu.memory_space<vmem>>, vector<1x16xi32>,
        %get3A_644 = arith.index_cast %add3A_619 : i32 to index
        %get3A_645 = arith.constant 32 : index
        %get3A_646 = tpu.vector_load %arg5[%get3A_644, %get3A_645] {strides = array<i32>} : memref<50x128xi32, #tpu.memory_space<vmem>>, vector<1x16xi32>,
        %get3A_647 = vector.shape_cast %get3A_646 : vector<1x16xi32> to vector<16xi32>
        %add3A_648 = arith.constant 1 : i32
        %add3A_649 = vector.broadcast %add3A_648 : i32 to vector<16xi32>
        %add3A_650 = arith.addi %get3A_647, %add3A_649 : vector<16xi32>
        %swap3A_651 = arith.index_cast %add3A_619 : i32 to index
        %swap3A_652 = arith.constant 32 : index
        %swap3A_653 = tpu.vector_load %arg5[%swap3A_651, %swap3A_652] {strides = array<i32>} : memref<50x128xi32, #tpu.memory_space<vmem>>, vector<1x16xi32>,
        %swap3A_654 = vector.shape_cast %swap3A_653 : vector<1x16xi32> to vector<16xi32>
        %swap3A_655 = vector.shape_cast %add3A_650 : vector<16xi32> to vector<1x16xi32>
        tpu.vector_store %arg5[%swap3A_651, %swap3A_652], %swap3A_655 {strides = array<i32>} : memref<50x128xi32, #tpu.memory_space<vmem>>, vector<1x16xi32>,
        %get3A_656 = arith.index_cast %add3A_619 : i32 to index
        %get3A_657 = arith.constant 48 : index
        %get3A_658 = tpu.vector_load %arg5[%get3A_656, %get3A_657] {strides = array<i32>} : memref<50x128xi32, #tpu.memory_space<vmem>>, vector<1x16xi32>,
        %get3A_659 = vector.shape_cast %get3A_658 : vector<1x16xi32> to vector<16xi32>
        %add3A_660 = arith.constant 1 : i32
        %add3A_661 = vector.broadcast %add3A_660 : i32 to vector<16xi32>
        %add3A_662 = arith.addi %get3A_659, %add3A_661 : vector<16xi32>
        %swap3A_663 = arith.index_cast %add3A_619 : i32 to index
        %swap3A_664 = arith.constant 48 : index
        %swap3A_665 = tpu.vector_load %arg5[%swap3A_663, %swap3A_664] {strides = array<i32>} : memref<50x128xi32, #tpu.memory_space<vmem>>, vector<1x16xi32>,
        %swap3A_666 = vector.shape_cast %swap3A_665 : vector<1x16xi32> to vector<16xi32>
        %swap3A_667 = vector.shape_cast %add3A_662 : vector<16xi32> to vector<1x16xi32>
        tpu.vector_store %arg5[%swap3A_663, %swap3A_664], %swap3A_667 {strides = array<i32>} : memref<50x128xi32, #tpu.memory_space<vmem>>, vector<1x16xi32>,
        %get3A_668 = arith.index_cast %add3A_619 : i32 to index
        %get3A_669 = arith.constant 64 : index
        %get3A_670 = tpu.vector_load %arg5[%get3A_668, %get3A_669] {strides = array<i32>} : memref<50x128xi32, #tpu.memory_space<vmem>>, vector<1x16xi32>,
        %get3A_671 = vector.shape_cast %get3A_670 : vector<1x16xi32> to vector<16xi32>
        %add3A_672 = arith.constant 1 : i32
        %add3A_673 = vector.broadcast %add3A_672 : i32 to vector<16xi32>
        %add3A_674 = arith.addi %get3A_671, %add3A_673 : vector<16xi32>
        %swap3A_675 = arith.index_cast %add3A_619 : i32 to index
        %swap3A_676 = arith.constant 64 : index
        %swap3A_677 = tpu.vector_load %arg5[%swap3A_675, %swap3A_676] {strides = array<i32>} : memref<50x128xi32, #tpu.memory_space<vmem>>, vector<1x16xi32>,
        %swap3A_678 = vector.shape_cast %swap3A_677 : vector<1x16xi32> to vector<16xi32>
        %swap3A_679 = vector.shape_cast %add3A_674 : vector<16xi32> to vector<1x16xi32>
        tpu.vector_store %arg5[%swap3A_675, %swap3A_676], %swap3A_679 {strides = array<i32>} : memref<50x128xi32, #tpu.memory_space<vmem>>, vector<1x16xi32>,
        %get3A_680 = arith.index_cast %add3A_619 : i32 to index
        %get3A_681 = arith.constant 80 : index
        %get3A_682 = tpu.vector_load %arg5[%get3A_680, %get3A_681] {strides = array<i32>} : memref<50x128xi32, #tpu.memory_space<vmem>>, vector<1x16xi32>,
        %get3A_683 = vector.shape_cast %get3A_682 : vector<1x16xi32> to vector<16xi32>
        %add3A_684 = arith.constant 1 : i32
        %add3A_685 = vector.broadcast %add3A_684 : i32 to vector<16xi32>
        %add3A_686 = arith.addi %get3A_683, %add3A_685 : vector<16xi32>
        %swap3A_687 = arith.index_cast %add3A_619 : i32 to index
        %swap3A_688 = arith.constant 80 : index
        %swap3A_689 = tpu.vector_load %arg5[%swap3A_687, %swap3A_688] {strides = array<i32>} : memref<50x128xi32, #tpu.memory_space<vmem>>, vector<1x16xi32>,
        %swap3A_690 = vector.shape_cast %swap3A_689 : vector<1x16xi32> to vector<16xi32>
        %swap3A_691 = vector.shape_cast %add3A_686 : vector<16xi32> to vector<1x16xi32>
        tpu.vector_store %arg5[%swap3A_687, %swap3A_688], %swap3A_691 {strides = array<i32>} : memref<50x128xi32, #tpu.memory_space<vmem>>, vector<1x16xi32>,
        %get3A_692 = arith.index_cast %add3A_619 : i32 to index
        %get3A_693 = arith.constant 96 : index
        %get3A_694 = tpu.vector_load %arg5[%get3A_692, %get3A_693] {strides = array<i32>} : memref<50x128xi32, #tpu.memory_space<vmem>>, vector<1x16xi32>,
        %get3A_695 = vector.shape_cast %get3A_694 : vector<1x16xi32> to vector<16xi32>
        %add3A_696 = arith.constant 1 : i32
        %add3A_697 = vector.broadcast %add3A_696 : i32 to vector<16xi32>
        %add3A_698 = arith.addi %get3A_695, %add3A_697 : vector<16xi32>
        %swap3A_699 = arith.index_cast %add3A_619 : i32 to index
        %swap3A_700 = arith.constant 96 : index
        %swap3A_701 = tpu.vector_load %arg5[%swap3A_699, %swap3A_700] {strides = array<i32>} : memref<50x128xi32, #tpu.memory_space<vmem>>, vector<1x16xi32>,
        %swap3A_702 = vector.shape_cast %swap3A_701 : vector<1x16xi32> to vector<16xi32>
        %swap3A_703 = vector.shape_cast %add3A_698 : vector<16xi32> to vector<1x16xi32>
        tpu.vector_store %arg5[%swap3A_699, %swap3A_700], %swap3A_703 {strides = array<i32>} : memref<50x128xi32, #tpu.memory_space<vmem>>, vector<1x16xi32>,
        %get3A_704 = arith.index_cast %add3A_619 : i32 to index
        %get3A_705 = arith.constant 112 : index
        %get3A_706 = tpu.vector_load %arg5[%get3A_704, %get3A_705] {strides = array<i32>} : memref<50x128xi32, #tpu.memory_space<vmem>>, vector<1x16xi32>,
        %get3A_707 = vector.shape_cast %get3A_706 : vector<1x16xi32> to vector<16xi32>
        %add3A_708 = arith.constant 1 : i32
        %add3A_709 = vector.broadcast %add3A_708 : i32 to vector<16xi32>
        %add3A_710 = arith.addi %get3A_707, %add3A_709 : vector<16xi32>
        %swap3A_711 = arith.index_cast %add3A_619 : i32 to index
        %swap3A_712 = arith.constant 112 : index
        %swap3A_713 = tpu.vector_load %arg5[%swap3A_711, %swap3A_712] {strides = array<i32>} : memref<50x128xi32, #tpu.memory_space<vmem>>, vector<1x16xi32>,
        %swap3A_714 = vector.shape_cast %swap3A_713 : vector<1x16xi32> to vector<16xi32>
        %swap3A_715 = vector.shape_cast %add3A_710 : vector<16xi32> to vector<1x16xi32>
        tpu.vector_store %arg5[%swap3A_711, %swap3A_712], %swap3A_715 {strides = array<i32>} : memref<50x128xi32, #tpu.memory_space<vmem>>, vector<1x16xi32>,
        %add3A_716 = arith.constant 3 : i32
        %add3A_717 = arith.addi %add3A_452, %add3A_716 : i32
        %dma_start3A_718 = arith.constant 4 : i32
        %dma_start3A_719 = arith.constant 0 : i32
        %dma_start3A_720 = arith.constant 0 : i32
        %dma_start3A_721 = tpu.memref_slice %arg6[%dma_start3A_718, %dma_start3A_719, %dma_start3A_720] : memref<5x128x128xf32, #tpu.memory_space<vmem>> -> memref<1x128x128xf32, #tpu.memory_space<vmem>>
        %dma_start3A_722 = tpu.memref_squeeze %dma_start3A_721 : memref<1x128x128xf32, #tpu.memory_space<vmem>> -> memref<128x128xf32, #tpu.memory_space<vmem>>
        %dma_start3A_723 = arith.constant 0 : i32
        %dma_start3A_724 = tpu.memref_slice %arg5[%add3A_717, %dma_start3A_723] : memref<50x128xi32, #tpu.memory_space<vmem>> -> memref<1x128xi32, #tpu.memory_space<vmem>>
        %dma_start3A_725 = tpu.memref_squeeze %dma_start3A_724 : memref<1x128xi32, #tpu.memory_space<vmem>> -> memref<128xi32, #tpu.memory_space<vmem>>
        %dma_start3A_726 = arith.constant 0 : i32
        %dma_start3A_727 = arith.constant 0 : i32
        %dma_start3A_728 = tpu.memref_slice %arg3[%dma_start3A_726, %dma_start3A_727] : memref<100000x128xf32, #tpu.memory_space<hbm>> -> memref<100000x128xf32, #tpu.memory_space<hbm>>
        tpu.enqueue_indirect_dma source(%dma_start3A_728 : memref<100000x128xf32, #tpu.memory_space<hbm>>) target(%dma_start3A_722 : memref<128x128xf32, #tpu.memory_space<vmem>>) offsets(%dma_start3A_725 : memref<128xi32, #tpu.memory_space<vmem>>) semaphore(%arg11 : memref<!tpu.dma_semaphore, #tpu.memory_space<semaphore_mem>>)
      } else {
      }
      %mul3A_491 = arith.constant 5 : i32
      %mul3A_492 = arith.muli %scan3A_409, %mul3A_491 : i32
      %add3A_493 = arith.constant 2 : i32
      %add3A_494 = arith.addi %mul3A_492, %add3A_493 : i32
      %dma_wait3A_495 = arith.constant 2 : i32
      %dma_wait3A_496 = arith.constant 0 : i32
      %dma_wait3A_497 = arith.constant 0 : i32
      %dma_wait3A_498 = tpu.memref_slice %arg6[%dma_wait3A_495, %dma_wait3A_496, %dma_wait3A_497] : memref<5x128x128xf32, #tpu.memory_space<vmem>> -> memref<1x128x128xf32, #tpu.memory_space<vmem>>
      %dma_wait3A_499 = tpu.memref_squeeze %dma_wait3A_498 : memref<1x128x128xf32, #tpu.memory_space<vmem>> -> memref<128x128xf32, #tpu.memory_space<vmem>>
      %dma_wait3A_500 = arith.constant 0 : i32
      %dma_wait3A_501 = tpu.memref_slice %arg5[%add3A_494, %dma_wait3A_500] : memref<50x128xi32, #tpu.memory_space<vmem>> -> memref<1x128xi32, #tpu.memory_space<vmem>>
      %dma_wait3A_502 = tpu.memref_squeeze %dma_wait3A_501 : memref<1x128xi32, #tpu.memory_space<vmem>> -> memref<128xi32, #tpu.memory_space<vmem>>
      %dma_wait3A_503 = arith.constant 0 : i32
      %dma_wait3A_504 = arith.constant 0 : i32
      %dma_wait3A_505 = tpu.memref_slice %arg3[%dma_wait3A_503, %dma_wait3A_504] : memref<100000x128xf32, #tpu.memory_space<hbm>> -> memref<100000x128xf32, #tpu.memory_space<hbm>>
      tpu.wait_indirect_dma semaphore(%arg9 : memref<!tpu.dma_semaphore, #tpu.memory_space<semaphore_mem>>) src(%dma_wait3A_505 : memref<100000x128xf32, #tpu.memory_space<hbm>>) dst(%dma_wait3A_499 : memref<128x128xf32, #tpu.memory_space<vmem>>)
      %dma_start3A_506 = arith.constant 2 : i32
      %dma_start3A_507 = arith.constant 0 : i32
      %dma_start3A_508 = arith.constant 0 : i32
      %dma_start3A_509 = tpu.memref_slice %arg6[%dma_start3A_506, %dma_start3A_507, %dma_start3A_508] : memref<5x128x128xf32, #tpu.memory_space<vmem>> -> memref<1x128x128xf32, #tpu.memory_space<vmem>>
      %dma_start3A_510 = tpu.memref_squeeze %dma_start3A_509 : memref<1x128x128xf32, #tpu.memory_space<vmem>> -> memref<128x128xf32, #tpu.memory_space<vmem>>
      %dma_start3A_511 = arith.constant 0 : i32
      %dma_start3A_512 = tpu.memref_slice %arg4[%add3A_494, %mul3A_2, %dma_start3A_511] : memref<50x4096x128xf32, #tpu.memory_space<hbm>> -> memref<1x128x128xf32, #tpu.memory_space<hbm>>
      %dma_start3A_513 = tpu.memref_squeeze %dma_start3A_512 : memref<1x128x128xf32, #tpu.memory_space<hbm>> -> memref<128x128xf32, #tpu.memory_space<hbm>>
      %dma_start3A_514 = arith.constant 0 : i32
      %dma_start3A_515 = tpu.memref_slice %arg4[%add3A_494, %mul3A_2, %dma_start3A_514] : memref<50x4096x128xf32, #tpu.memory_space<hbm>> -> memref<1x128x128xf32, #tpu.memory_space<hbm>>
      %dma_start3A_516 = tpu.memref_squeeze %dma_start3A_515 : memref<1x128x128xf32, #tpu.memory_space<hbm>> -> memref<128x128xf32, #tpu.memory_space<hbm>>
      %dma_start3A_517 = arith.constant 0 : i32
      %dma_start3A_518 = arith.constant 0 : i32
      %dma_start3A_519 = tpu.memref_slice %arg6[%dma_start3A_506, %dma_start3A_517, %dma_start3A_518] : memref<5x128x128xf32, #tpu.memory_space<vmem>> -> memref<1x128x128xf32, #tpu.memory_space<vmem>>
      %dma_start3A_520 = tpu.memref_squeeze %dma_start3A_519 : memref<1x128x128xf32, #tpu.memory_space<vmem>> -> memref<128x128xf32, #tpu.memory_space<vmem>>
      tpu.enqueue_dma source(%dma_start3A_520 : memref<128x128xf32, #tpu.memory_space<vmem>>) target(%dma_start3A_516 : memref<128x128xf32, #tpu.memory_space<hbm>>) target_semaphore(%arg14 : memref<!tpu.dma_semaphore, #tpu.memory_space<semaphore_mem>>)
      %ge3A_521 = arith.constant 2 : i32
      %ge3A_522 = arith.cmpi sge, %add3A_494, %ge3A_521 : i32
      %convert_element_type3A_523 = arith.extui %ge3A_522 : i1 to i32
      %cond3A_524 = arith.constant 0 : i32
      %cond3A_525 = arith.cmpi ne, %convert_element_type3A_523, %cond3A_524 : i32
      scf.if %cond3A_525 {
        %sub3A = arith.constant 2 : i32
        %sub3A_618 = arith.subi %add3A_494, %sub3A : i32
        %dma_wait3A_619 = arith.constant 0 : i32
        %dma_wait3A_620 = arith.constant 0 : i32
        %dma_wait3A_621 = arith.constant 0 : i32
        %dma_wait3A_622 = tpu.memref_slice %arg6[%dma_wait3A_619, %dma_wait3A_620, %dma_wait3A_621] : memref<5x128x128xf32, #tpu.memory_space<vmem>> -> memref<1x128x128xf32, #tpu.memory_space<vmem>>
        %dma_wait3A_623 = tpu.memref_squeeze %dma_wait3A_622 : memref<1x128x128xf32, #tpu.memory_space<vmem>> -> memref<128x128xf32, #tpu.memory_space<vmem>>
        %dma_wait3A_624 = arith.constant 0 : i32
        %dma_wait3A_625 = tpu.memref_slice %arg4[%sub3A_618, %mul3A_2, %dma_wait3A_624] : memref<50x4096x128xf32, #tpu.memory_space<hbm>> -> memref<1x128x128xf32, #tpu.memory_space<hbm>>
        %dma_wait3A_626 = tpu.memref_squeeze %dma_wait3A_625 : memref<1x128x128xf32, #tpu.memory_space<hbm>> -> memref<128x128xf32, #tpu.memory_space<hbm>>
        %dma_wait3A_627 = arith.constant 0 : i32
        %dma_wait3A_628 = tpu.memref_slice %arg4[%sub3A_618, %mul3A_2, %dma_wait3A_627] : memref<50x4096x128xf32, #tpu.memory_space<hbm>> -> memref<1x128x128xf32, #tpu.memory_space<hbm>>
        %dma_wait3A_629 = tpu.memref_squeeze %dma_wait3A_628 : memref<1x128x128xf32, #tpu.memory_space<hbm>> -> memref<128x128xf32, #tpu.memory_space<hbm>>
        %dma_wait3A_630 = arith.constant 0 : i32
        %dma_wait3A_631 = arith.constant 0 : i32
        %dma_wait3A_632 = tpu.memref_slice %arg6[%dma_wait3A_619, %dma_wait3A_630, %dma_wait3A_631] : memref<5x128x128xf32, #tpu.memory_space<vmem>> -> memref<1x128x128xf32, #tpu.memory_space<vmem>>
        %dma_wait3A_633 = tpu.memref_squeeze %dma_wait3A_632 : memref<1x128x128xf32, #tpu.memory_space<vmem>> -> memref<128x128xf32, #tpu.memory_space<vmem>>
        tpu.wait_dma2 semaphore(%arg12 : memref<!tpu.dma_semaphore, #tpu.memory_space<semaphore_mem>>) src(%dma_wait3A_633 : memref<128x128xf32, #tpu.memory_space<vmem>>) dst(%dma_wait3A_629 : memref<128x128xf32, #tpu.memory_space<hbm>>)
      } else {
      }
      %add3A_526 = arith.constant 3 : i32
      %add3A_527 = arith.addi %add3A_494, %add3A_526 : i32
      %lt3A_528 = arith.constant 50 : i32
      %lt3A_529 = arith.cmpi slt, %add3A_527, %lt3A_528 : i32
      %convert_element_type3A_530 = arith.extui %lt3A_529 : i1 to i32
      %cond3A_531 = arith.constant 0 : i32
      %cond3A_532 = arith.cmpi ne, %convert_element_type3A_530, %cond3A_531 : i32
      scf.if %cond3A_532 {
        %add3A_618 = arith.constant 3 : i32
        %add3A_619 = arith.addi %add3A_494, %add3A_618 : i32
        %get3A_620 = arith.index_cast %add3A_619 : i32 to index
        %get3A_621 = arith.constant 0 : index
        %get3A_622 = tpu.vector_load %arg5[%get3A_620, %get3A_621] {strides = array<i32>} : memref<50x128xi32, #tpu.memory_space<vmem>>, vector<1x16xi32>,
        %get3A_623 = vector.shape_cast %get3A_622 : vector<1x16xi32> to vector<16xi32>
        %add3A_624 = arith.constant 1 : i32
        %add3A_625 = vector.broadcast %add3A_624 : i32 to vector<16xi32>
        %add3A_626 = arith.addi %get3A_623, %add3A_625 : vector<16xi32>
        %swap3A_627 = arith.index_cast %add3A_619 : i32 to index
        %swap3A_628 = arith.constant 0 : index
        %swap3A_629 = tpu.vector_load %arg5[%swap3A_627, %swap3A_628] {strides = array<i32>} : memref<50x128xi32, #tpu.memory_space<vmem>>, vector<1x16xi32>,
        %swap3A_630 = vector.shape_cast %swap3A_629 : vector<1x16xi32> to vector<16xi32>
        %swap3A_631 = vector.shape_cast %add3A_626 : vector<16xi32> to vector<1x16xi32>
        tpu.vector_store %arg5[%swap3A_627, %swap3A_628], %swap3A_631 {strides = array<i32>} : memref<50x128xi32, #tpu.memory_space<vmem>>, vector<1x16xi32>,
        %get3A_632 = arith.index_cast %add3A_619 : i32 to index
        %get3A_633 = arith.constant 16 : index
        %get3A_634 = tpu.vector_load %arg5[%get3A_632, %get3A_633] {strides = array<i32>} : memref<50x128xi32, #tpu.memory_space<vmem>>, vector<1x16xi32>,
        %get3A_635 = vector.shape_cast %get3A_634 : vector<1x16xi32> to vector<16xi32>
        %add3A_636 = arith.constant 1 : i32
        %add3A_637 = vector.broadcast %add3A_636 : i32 to vector<16xi32>
        %add3A_638 = arith.addi %get3A_635, %add3A_637 : vector<16xi32>
        %swap3A_639 = arith.index_cast %add3A_619 : i32 to index
        %swap3A_640 = arith.constant 16 : index
        %swap3A_641 = tpu.vector_load %arg5[%swap3A_639, %swap3A_640] {strides = array<i32>} : memref<50x128xi32, #tpu.memory_space<vmem>>, vector<1x16xi32>,
        %swap3A_642 = vector.shape_cast %swap3A_641 : vector<1x16xi32> to vector<16xi32>
        %swap3A_643 = vector.shape_cast %add3A_638 : vector<16xi32> to vector<1x16xi32>
        tpu.vector_store %arg5[%swap3A_639, %swap3A_640], %swap3A_643 {strides = array<i32>} : memref<50x128xi32, #tpu.memory_space<vmem>>, vector<1x16xi32>,
        %get3A_644 = arith.index_cast %add3A_619 : i32 to index
        %get3A_645 = arith.constant 32 : index
        %get3A_646 = tpu.vector_load %arg5[%get3A_644, %get3A_645] {strides = array<i32>} : memref<50x128xi32, #tpu.memory_space<vmem>>, vector<1x16xi32>,
        %get3A_647 = vector.shape_cast %get3A_646 : vector<1x16xi32> to vector<16xi32>
        %add3A_648 = arith.constant 1 : i32
        %add3A_649 = vector.broadcast %add3A_648 : i32 to vector<16xi32>
        %add3A_650 = arith.addi %get3A_647, %add3A_649 : vector<16xi32>
        %swap3A_651 = arith.index_cast %add3A_619 : i32 to index
        %swap3A_652 = arith.constant 32 : index
        %swap3A_653 = tpu.vector_load %arg5[%swap3A_651, %swap3A_652] {strides = array<i32>} : memref<50x128xi32, #tpu.memory_space<vmem>>, vector<1x16xi32>,
        %swap3A_654 = vector.shape_cast %swap3A_653 : vector<1x16xi32> to vector<16xi32>
        %swap3A_655 = vector.shape_cast %add3A_650 : vector<16xi32> to vector<1x16xi32>
        tpu.vector_store %arg5[%swap3A_651, %swap3A_652], %swap3A_655 {strides = array<i32>} : memref<50x128xi32, #tpu.memory_space<vmem>>, vector<1x16xi32>,
        %get3A_656 = arith.index_cast %add3A_619 : i32 to index
        %get3A_657 = arith.constant 48 : index
        %get3A_658 = tpu.vector_load %arg5[%get3A_656, %get3A_657] {strides = array<i32>} : memref<50x128xi32, #tpu.memory_space<vmem>>, vector<1x16xi32>,
        %get3A_659 = vector.shape_cast %get3A_658 : vector<1x16xi32> to vector<16xi32>
        %add3A_660 = arith.constant 1 : i32
        %add3A_661 = vector.broadcast %add3A_660 : i32 to vector<16xi32>
        %add3A_662 = arith.addi %get3A_659, %add3A_661 : vector<16xi32>
        %swap3A_663 = arith.index_cast %add3A_619 : i32 to index
        %swap3A_664 = arith.constant 48 : index
        %swap3A_665 = tpu.vector_load %arg5[%swap3A_663, %swap3A_664] {strides = array<i32>} : memref<50x128xi32, #tpu.memory_space<vmem>>, vector<1x16xi32>,
        %swap3A_666 = vector.shape_cast %swap3A_665 : vector<1x16xi32> to vector<16xi32>
        %swap3A_667 = vector.shape_cast %add3A_662 : vector<16xi32> to vector<1x16xi32>
        tpu.vector_store %arg5[%swap3A_663, %swap3A_664], %swap3A_667 {strides = array<i32>} : memref<50x128xi32, #tpu.memory_space<vmem>>, vector<1x16xi32>,
        %get3A_668 = arith.index_cast %add3A_619 : i32 to index
        %get3A_669 = arith.constant 64 : index
        %get3A_670 = tpu.vector_load %arg5[%get3A_668, %get3A_669] {strides = array<i32>} : memref<50x128xi32, #tpu.memory_space<vmem>>, vector<1x16xi32>,
        %get3A_671 = vector.shape_cast %get3A_670 : vector<1x16xi32> to vector<16xi32>
        %add3A_672 = arith.constant 1 : i32
        %add3A_673 = vector.broadcast %add3A_672 : i32 to vector<16xi32>
        %add3A_674 = arith.addi %get3A_671, %add3A_673 : vector<16xi32>
        %swap3A_675 = arith.index_cast %add3A_619 : i32 to index
        %swap3A_676 = arith.constant 64 : index
        %swap3A_677 = tpu.vector_load %arg5[%swap3A_675, %swap3A_676] {strides = array<i32>} : memref<50x128xi32, #tpu.memory_space<vmem>>, vector<1x16xi32>,
        %swap3A_678 = vector.shape_cast %swap3A_677 : vector<1x16xi32> to vector<16xi32>
        %swap3A_679 = vector.shape_cast %add3A_674 : vector<16xi32> to vector<1x16xi32>
        tpu.vector_store %arg5[%swap3A_675, %swap3A_676], %swap3A_679 {strides = array<i32>} : memref<50x128xi32, #tpu.memory_space<vmem>>, vector<1x16xi32>,
        %get3A_680 = arith.index_cast %add3A_619 : i32 to index
        %get3A_681 = arith.constant 80 : index
        %get3A_682 = tpu.vector_load %arg5[%get3A_680, %get3A_681] {strides = array<i32>} : memref<50x128xi32, #tpu.memory_space<vmem>>, vector<1x16xi32>,
        %get3A_683 = vector.shape_cast %get3A_682 : vector<1x16xi32> to vector<16xi32>
        %add3A_684 = arith.constant 1 : i32
        %add3A_685 = vector.broadcast %add3A_684 : i32 to vector<16xi32>
        %add3A_686 = arith.addi %get3A_683, %add3A_685 : vector<16xi32>
        %swap3A_687 = arith.index_cast %add3A_619 : i32 to index
        %swap3A_688 = arith.constant 80 : index
        %swap3A_689 = tpu.vector_load %arg5[%swap3A_687, %swap3A_688] {strides = array<i32>} : memref<50x128xi32, #tpu.memory_space<vmem>>, vector<1x16xi32>,
        %swap3A_690 = vector.shape_cast %swap3A_689 : vector<1x16xi32> to vector<16xi32>
        %swap3A_691 = vector.shape_cast %add3A_686 : vector<16xi32> to vector<1x16xi32>
        tpu.vector_store %arg5[%swap3A_687, %swap3A_688], %swap3A_691 {strides = array<i32>} : memref<50x128xi32, #tpu.memory_space<vmem>>, vector<1x16xi32>,
        %get3A_692 = arith.index_cast %add3A_619 : i32 to index
        %get3A_693 = arith.constant 96 : index
        %get3A_694 = tpu.vector_load %arg5[%get3A_692, %get3A_693] {strides = array<i32>} : memref<50x128xi32, #tpu.memory_space<vmem>>, vector<1x16xi32>,
        %get3A_695 = vector.shape_cast %get3A_694 : vector<1x16xi32> to vector<16xi32>
        %add3A_696 = arith.constant 1 : i32
        %add3A_697 = vector.broadcast %add3A_696 : i32 to vector<16xi32>
        %add3A_698 = arith.addi %get3A_695, %add3A_697 : vector<16xi32>
        %swap3A_699 = arith.index_cast %add3A_619 : i32 to index
        %swap3A_700 = arith.constant 96 : index
        %swap3A_701 = tpu.vector_load %arg5[%swap3A_699, %swap3A_700] {strides = array<i32>} : memref<50x128xi32, #tpu.memory_space<vmem>>, vector<1x16xi32>,
        %swap3A_702 = vector.shape_cast %swap3A_701 : vector<1x16xi32> to vector<16xi32>
        %swap3A_703 = vector.shape_cast %add3A_698 : vector<16xi32> to vector<1x16xi32>
        tpu.vector_store %arg5[%swap3A_699, %swap3A_700], %swap3A_703 {strides = array<i32>} : memref<50x128xi32, #tpu.memory_space<vmem>>, vector<1x16xi32>,
        %get3A_704 = arith.index_cast %add3A_619 : i32 to index
        %get3A_705 = arith.constant 112 : index
        %get3A_706 = tpu.vector_load %arg5[%get3A_704, %get3A_705] {strides = array<i32>} : memref<50x128xi32, #tpu.memory_space<vmem>>, vector<1x16xi32>,
        %get3A_707 = vector.shape_cast %get3A_706 : vector<1x16xi32> to vector<16xi32>
        %add3A_708 = arith.constant 1 : i32
        %add3A_709 = vector.broadcast %add3A_708 : i32 to vector<16xi32>
        %add3A_710 = arith.addi %get3A_707, %add3A_709 : vector<16xi32>
        %swap3A_711 = arith.index_cast %add3A_619 : i32 to index
        %swap3A_712 = arith.constant 112 : index
        %swap3A_713 = tpu.vector_load %arg5[%swap3A_711, %swap3A_712] {strides = array<i32>} : memref<50x128xi32, #tpu.memory_space<vmem>>, vector<1x16xi32>,
        %swap3A_714 = vector.shape_cast %swap3A_713 : vector<1x16xi32> to vector<16xi32>
        %swap3A_715 = vector.shape_cast %add3A_710 : vector<16xi32> to vector<1x16xi32>
        tpu.vector_store %arg5[%swap3A_711, %swap3A_712], %swap3A_715 {strides = array<i32>} : memref<50x128xi32, #tpu.memory_space<vmem>>, vector<1x16xi32>,
        %add3A_716 = arith.constant 3 : i32
        %add3A_717 = arith.addi %add3A_494, %add3A_716 : i32
        %dma_start3A_718 = arith.constant 0 : i32
        %dma_start3A_719 = arith.constant 0 : i32
        %dma_start3A_720 = arith.constant 0 : i32
        %dma_start3A_721 = tpu.memref_slice %arg6[%dma_start3A_718, %dma_start3A_719, %dma_start3A_720] : memref<5x128x128xf32, #tpu.memory_space<vmem>> -> memref<1x128x128xf32, #tpu.memory_space<vmem>>
        %dma_start3A_722 = tpu.memref_squeeze %dma_start3A_721 : memref<1x128x128xf32, #tpu.memory_space<vmem>> -> memref<128x128xf32, #tpu.memory_space<vmem>>
        %dma_start3A_723 = arith.constant 0 : i32
        %dma_start3A_724 = tpu.memref_slice %arg5[%add3A_717, %dma_start3A_723] : memref<50x128xi32, #tpu.memory_space<vmem>> -> memref<1x128xi32, #tpu.memory_space<vmem>>
        %dma_start3A_725 = tpu.memref_squeeze %dma_start3A_724 : memref<1x128xi32, #tpu.memory_space<vmem>> -> memref<128xi32, #tpu.memory_space<vmem>>
        %dma_start3A_726 = arith.constant 0 : i32
        %dma_start3A_727 = arith.constant 0 : i32
        %dma_start3A_728 = tpu.memref_slice %arg3[%dma_start3A_726, %dma_start3A_727] : memref<100000x128xf32, #tpu.memory_space<hbm>> -> memref<100000x128xf32, #tpu.memory_space<hbm>>
        tpu.enqueue_indirect_dma source(%dma_start3A_728 : memref<100000x128xf32, #tpu.memory_space<hbm>>) target(%dma_start3A_722 : memref<128x128xf32, #tpu.memory_space<vmem>>) offsets(%dma_start3A_725 : memref<128xi32, #tpu.memory_space<vmem>>) semaphore(%arg7 : memref<!tpu.dma_semaphore, #tpu.memory_space<semaphore_mem>>)
      } else {
      }
      %mul3A_533 = arith.constant 5 : i32
      %mul3A_534 = arith.muli %scan3A_409, %mul3A_533 : i32
      %add3A_535 = arith.constant 3 : i32
      %add3A_536 = arith.addi %mul3A_534, %add3A_535 : i32
      %dma_wait3A_537 = arith.constant 3 : i32
      %dma_wait3A_538 = arith.constant 0 : i32
      %dma_wait3A_539 = arith.constant 0 : i32
      %dma_wait3A_540 = tpu.memref_slice %arg6[%dma_wait3A_537, %dma_wait3A_538, %dma_wait3A_539] : memref<5x128x128xf32, #tpu.memory_space<vmem>> -> memref<1x128x128xf32, #tpu.memory_space<vmem>>
      %dma_wait3A_541 = tpu.memref_squeeze %dma_wait3A_540 : memref<1x128x128xf32, #tpu.memory_space<vmem>> -> memref<128x128xf32, #tpu.memory_space<vmem>>
      %dma_wait3A_542 = arith.constant 0 : i32
      %dma_wait3A_543 = tpu.memref_slice %arg5[%add3A_536, %dma_wait3A_542] : memref<50x128xi32, #tpu.memory_space<vmem>> -> memref<1x128xi32, #tpu.memory_space<vmem>>
      %dma_wait3A_544 = tpu.memref_squeeze %dma_wait3A_543 : memref<1x128xi32, #tpu.memory_space<vmem>> -> memref<128xi32, #tpu.memory_space<vmem>>
      %dma_wait3A_545 = arith.constant 0 : i32
      %dma_wait3A_546 = arith.constant 0 : i32
      %dma_wait3A_547 = tpu.memref_slice %arg3[%dma_wait3A_545, %dma_wait3A_546] : memref<100000x128xf32, #tpu.memory_space<hbm>> -> memref<100000x128xf32, #tpu.memory_space<hbm>>
      tpu.wait_indirect_dma semaphore(%arg10 : memref<!tpu.dma_semaphore, #tpu.memory_space<semaphore_mem>>) src(%dma_wait3A_547 : memref<100000x128xf32, #tpu.memory_space<hbm>>) dst(%dma_wait3A_541 : memref<128x128xf32, #tpu.memory_space<vmem>>)
      %dma_start3A_548 = arith.constant 3 : i32
      %dma_start3A_549 = arith.constant 0 : i32
      %dma_start3A_550 = arith.constant 0 : i32
      %dma_start3A_551 = tpu.memref_slice %arg6[%dma_start3A_548, %dma_start3A_549, %dma_start3A_550] : memref<5x128x128xf32, #tpu.memory_space<vmem>> -> memref<1x128x128xf32, #tpu.memory_space<vmem>>
      %dma_start3A_552 = tpu.memref_squeeze %dma_start3A_551 : memref<1x128x128xf32, #tpu.memory_space<vmem>> -> memref<128x128xf32, #tpu.memory_space<vmem>>
      %dma_start3A_553 = arith.constant 0 : i32
      %dma_start3A_554 = tpu.memref_slice %arg4[%add3A_536, %mul3A_2, %dma_start3A_553] : memref<50x4096x128xf32, #tpu.memory_space<hbm>> -> memref<1x128x128xf32, #tpu.memory_space<hbm>>
      %dma_start3A_555 = tpu.memref_squeeze %dma_start3A_554 : memref<1x128x128xf32, #tpu.memory_space<hbm>> -> memref<128x128xf32, #tpu.memory_space<hbm>>
      %dma_start3A_556 = arith.constant 0 : i32
      %dma_start3A_557 = tpu.memref_slice %arg4[%add3A_536, %mul3A_2, %dma_start3A_556] : memref<50x4096x128xf32, #tpu.memory_space<hbm>> -> memref<1x128x128xf32, #tpu.memory_space<hbm>>
      %dma_start3A_558 = tpu.memref_squeeze %dma_start3A_557 : memref<1x128x128xf32, #tpu.memory_space<hbm>> -> memref<128x128xf32, #tpu.memory_space<hbm>>
      %dma_start3A_559 = arith.constant 0 : i32
      %dma_start3A_560 = arith.constant 0 : i32
      %dma_start3A_561 = tpu.memref_slice %arg6[%dma_start3A_548, %dma_start3A_559, %dma_start3A_560] : memref<5x128x128xf32, #tpu.memory_space<vmem>> -> memref<1x128x128xf32, #tpu.memory_space<vmem>>
      %dma_start3A_562 = tpu.memref_squeeze %dma_start3A_561 : memref<1x128x128xf32, #tpu.memory_space<vmem>> -> memref<128x128xf32, #tpu.memory_space<vmem>>
      tpu.enqueue_dma source(%dma_start3A_562 : memref<128x128xf32, #tpu.memory_space<vmem>>) target(%dma_start3A_558 : memref<128x128xf32, #tpu.memory_space<hbm>>) target_semaphore(%arg15 : memref<!tpu.dma_semaphore, #tpu.memory_space<semaphore_mem>>)
      %ge3A_563 = arith.constant 2 : i32
      %ge3A_564 = arith.cmpi sge, %add3A_536, %ge3A_563 : i32
      %convert_element_type3A_565 = arith.extui %ge3A_564 : i1 to i32
      %cond3A_566 = arith.constant 0 : i32
      %cond3A_567 = arith.cmpi ne, %convert_element_type3A_565, %cond3A_566 : i32
      scf.if %cond3A_567 {
        %sub3A = arith.constant 2 : i32
        %sub3A_618 = arith.subi %add3A_536, %sub3A : i32
        %dma_wait3A_619 = arith.constant 1 : i32
        %dma_wait3A_620 = arith.constant 0 : i32
        %dma_wait3A_621 = arith.constant 0 : i32
        %dma_wait3A_622 = tpu.memref_slice %arg6[%dma_wait3A_619, %dma_wait3A_620, %dma_wait3A_621] : memref<5x128x128xf32, #tpu.memory_space<vmem>> -> memref<1x128x128xf32, #tpu.memory_space<vmem>>
        %dma_wait3A_623 = tpu.memref_squeeze %dma_wait3A_622 : memref<1x128x128xf32, #tpu.memory_space<vmem>> -> memref<128x128xf32, #tpu.memory_space<vmem>>
        %dma_wait3A_624 = arith.constant 0 : i32
        %dma_wait3A_625 = tpu.memref_slice %arg4[%sub3A_618, %mul3A_2, %dma_wait3A_624] : memref<50x4096x128xf32, #tpu.memory_space<hbm>> -> memref<1x128x128xf32, #tpu.memory_space<hbm>>
        %dma_wait3A_626 = tpu.memref_squeeze %dma_wait3A_625 : memref<1x128x128xf32, #tpu.memory_space<hbm>> -> memref<128x128xf32, #tpu.memory_space<hbm>>
        %dma_wait3A_627 = arith.constant 0 : i32
        %dma_wait3A_628 = tpu.memref_slice %arg4[%sub3A_618, %mul3A_2, %dma_wait3A_627] : memref<50x4096x128xf32, #tpu.memory_space<hbm>> -> memref<1x128x128xf32, #tpu.memory_space<hbm>>
        %dma_wait3A_629 = tpu.memref_squeeze %dma_wait3A_628 : memref<1x128x128xf32, #tpu.memory_space<hbm>> -> memref<128x128xf32, #tpu.memory_space<hbm>>
        %dma_wait3A_630 = arith.constant 0 : i32
        %dma_wait3A_631 = arith.constant 0 : i32
        %dma_wait3A_632 = tpu.memref_slice %arg6[%dma_wait3A_619, %dma_wait3A_630, %dma_wait3A_631] : memref<5x128x128xf32, #tpu.memory_space<vmem>> -> memref<1x128x128xf32, #tpu.memory_space<vmem>>
        %dma_wait3A_633 = tpu.memref_squeeze %dma_wait3A_632 : memref<1x128x128xf32, #tpu.memory_space<vmem>> -> memref<128x128xf32, #tpu.memory_space<vmem>>
        tpu.wait_dma2 semaphore(%arg13 : memref<!tpu.dma_semaphore, #tpu.memory_space<semaphore_mem>>) src(%dma_wait3A_633 : memref<128x128xf32, #tpu.memory_space<vmem>>) dst(%dma_wait3A_629 : memref<128x128xf32, #tpu.memory_space<hbm>>)
      } else {
      }
      %add3A_568 = arith.constant 3 : i32
      %add3A_569 = arith.addi %add3A_536, %add3A_568 : i32
      %lt3A_570 = arith.constant 50 : i32
      %lt3A_571 = arith.cmpi slt, %add3A_569, %lt3A_570 : i32
      %convert_element_type3A_572 = arith.extui %lt3A_571 : i1 to i32
      %cond3A_573 = arith.constant 0 : i32
      %cond3A_574 = arith.cmpi ne, %convert_element_type3A_572, %cond3A_573 : i32
      scf.if %cond3A_574 {
        %add3A_618 = arith.constant 3 : i32
        %add3A_619 = arith.addi %add3A_536, %add3A_618 : i32
        %get3A_620 = arith.index_cast %add3A_619 : i32 to index
        %get3A_621 = arith.constant 0 : index
        %get3A_622 = tpu.vector_load %arg5[%get3A_620, %get3A_621] {strides = array<i32>} : memref<50x128xi32, #tpu.memory_space<vmem>>, vector<1x16xi32>,
        %get3A_623 = vector.shape_cast %get3A_622 : vector<1x16xi32> to vector<16xi32>
        %add3A_624 = arith.constant 1 : i32
        %add3A_625 = vector.broadcast %add3A_624 : i32 to vector<16xi32>
        %add3A_626 = arith.addi %get3A_623, %add3A_625 : vector<16xi32>
        %swap3A_627 = arith.index_cast %add3A_619 : i32 to index
        %swap3A_628 = arith.constant 0 : index
        %swap3A_629 = tpu.vector_load %arg5[%swap3A_627, %swap3A_628] {strides = array<i32>} : memref<50x128xi32, #tpu.memory_space<vmem>>, vector<1x16xi32>,
        %swap3A_630 = vector.shape_cast %swap3A_629 : vector<1x16xi32> to vector<16xi32>
        %swap3A_631 = vector.shape_cast %add3A_626 : vector<16xi32> to vector<1x16xi32>
        tpu.vector_store %arg5[%swap3A_627, %swap3A_628], %swap3A_631 {strides = array<i32>} : memref<50x128xi32, #tpu.memory_space<vmem>>, vector<1x16xi32>,
        %get3A_632 = arith.index_cast %add3A_619 : i32 to index
        %get3A_633 = arith.constant 16 : index
        %get3A_634 = tpu.vector_load %arg5[%get3A_632, %get3A_633] {strides = array<i32>} : memref<50x128xi32, #tpu.memory_space<vmem>>, vector<1x16xi32>,
        %get3A_635 = vector.shape_cast %get3A_634 : vector<1x16xi32> to vector<16xi32>
        %add3A_636 = arith.constant 1 : i32
        %add3A_637 = vector.broadcast %add3A_636 : i32 to vector<16xi32>
        %add3A_638 = arith.addi %get3A_635, %add3A_637 : vector<16xi32>
        %swap3A_639 = arith.index_cast %add3A_619 : i32 to index
        %swap3A_640 = arith.constant 16 : index
        %swap3A_641 = tpu.vector_load %arg5[%swap3A_639, %swap3A_640] {strides = array<i32>} : memref<50x128xi32, #tpu.memory_space<vmem>>, vector<1x16xi32>,
        %swap3A_642 = vector.shape_cast %swap3A_641 : vector<1x16xi32> to vector<16xi32>
        %swap3A_643 = vector.shape_cast %add3A_638 : vector<16xi32> to vector<1x16xi32>
        tpu.vector_store %arg5[%swap3A_639, %swap3A_640], %swap3A_643 {strides = array<i32>} : memref<50x128xi32, #tpu.memory_space<vmem>>, vector<1x16xi32>,
        %get3A_644 = arith.index_cast %add3A_619 : i32 to index
        %get3A_645 = arith.constant 32 : index
        %get3A_646 = tpu.vector_load %arg5[%get3A_644, %get3A_645] {strides = array<i32>} : memref<50x128xi32, #tpu.memory_space<vmem>>, vector<1x16xi32>,
        %get3A_647 = vector.shape_cast %get3A_646 : vector<1x16xi32> to vector<16xi32>
        %add3A_648 = arith.constant 1 : i32
        %add3A_649 = vector.broadcast %add3A_648 : i32 to vector<16xi32>
        %add3A_650 = arith.addi %get3A_647, %add3A_649 : vector<16xi32>
        %swap3A_651 = arith.index_cast %add3A_619 : i32 to index
        %swap3A_652 = arith.constant 32 : index
        %swap3A_653 = tpu.vector_load %arg5[%swap3A_651, %swap3A_652] {strides = array<i32>} : memref<50x128xi32, #tpu.memory_space<vmem>>, vector<1x16xi32>,
        %swap3A_654 = vector.shape_cast %swap3A_653 : vector<1x16xi32> to vector<16xi32>
        %swap3A_655 = vector.shape_cast %add3A_650 : vector<16xi32> to vector<1x16xi32>
        tpu.vector_store %arg5[%swap3A_651, %swap3A_652], %swap3A_655 {strides = array<i32>} : memref<50x128xi32, #tpu.memory_space<vmem>>, vector<1x16xi32>,
        %get3A_656 = arith.index_cast %add3A_619 : i32 to index
        %get3A_657 = arith.constant 48 : index
        %get3A_658 = tpu.vector_load %arg5[%get3A_656, %get3A_657] {strides = array<i32>} : memref<50x128xi32, #tpu.memory_space<vmem>>, vector<1x16xi32>,
        %get3A_659 = vector.shape_cast %get3A_658 : vector<1x16xi32> to vector<16xi32>
        %add3A_660 = arith.constant 1 : i32
        %add3A_661 = vector.broadcast %add3A_660 : i32 to vector<16xi32>
        %add3A_662 = arith.addi %get3A_659, %add3A_661 : vector<16xi32>
        %swap3A_663 = arith.index_cast %add3A_619 : i32 to index
        %swap3A_664 = arith.constant 48 : index
        %swap3A_665 = tpu.vector_load %arg5[%swap3A_663, %swap3A_664] {strides = array<i32>} : memref<50x128xi32, #tpu.memory_space<vmem>>, vector<1x16xi32>,
        %swap3A_666 = vector.shape_cast %swap3A_665 : vector<1x16xi32> to vector<16xi32>
        %swap3A_667 = vector.shape_cast %add3A_662 : vector<16xi32> to vector<1x16xi32>
        tpu.vector_store %arg5[%swap3A_663, %swap3A_664], %swap3A_667 {strides = array<i32>} : memref<50x128xi32, #tpu.memory_space<vmem>>, vector<1x16xi32>,
        %get3A_668 = arith.index_cast %add3A_619 : i32 to index
        %get3A_669 = arith.constant 64 : index
        %get3A_670 = tpu.vector_load %arg5[%get3A_668, %get3A_669] {strides = array<i32>} : memref<50x128xi32, #tpu.memory_space<vmem>>, vector<1x16xi32>,
        %get3A_671 = vector.shape_cast %get3A_670 : vector<1x16xi32> to vector<16xi32>
        %add3A_672 = arith.constant 1 : i32
        %add3A_673 = vector.broadcast %add3A_672 : i32 to vector<16xi32>
        %add3A_674 = arith.addi %get3A_671, %add3A_673 : vector<16xi32>
        %swap3A_675 = arith.index_cast %add3A_619 : i32 to index
        %swap3A_676 = arith.constant 64 : index
        %swap3A_677 = tpu.vector_load %arg5[%swap3A_675, %swap3A_676] {strides = array<i32>} : memref<50x128xi32, #tpu.memory_space<vmem>>, vector<1x16xi32>,
        %swap3A_678 = vector.shape_cast %swap3A_677 : vector<1x16xi32> to vector<16xi32>
        %swap3A_679 = vector.shape_cast %add3A_674 : vector<16xi32> to vector<1x16xi32>
        tpu.vector_store %arg5[%swap3A_675, %swap3A_676], %swap3A_679 {strides = array<i32>} : memref<50x128xi32, #tpu.memory_space<vmem>>, vector<1x16xi32>,
        %get3A_680 = arith.index_cast %add3A_619 : i32 to index
        %get3A_681 = arith.constant 80 : index
        %get3A_682 = tpu.vector_load %arg5[%get3A_680, %get3A_681] {strides = array<i32>} : memref<50x128xi32, #tpu.memory_space<vmem>>, vector<1x16xi32>,
        %get3A_683 = vector.shape_cast %get3A_682 : vector<1x16xi32> to vector<16xi32>
        %add3A_684 = arith.constant 1 : i32
        %add3A_685 = vector.broadcast %add3A_684 : i32 to vector<16xi32>
        %add3A_686 = arith.addi %get3A_683, %add3A_685 : vector<16xi32>
        %swap3A_687 = arith.index_cast %add3A_619 : i32 to index
        %swap3A_688 = arith.constant 80 : index
        %swap3A_689 = tpu.vector_load %arg5[%swap3A_687, %swap3A_688] {strides = array<i32>} : memref<50x128xi32, #tpu.memory_space<vmem>>, vector<1x16xi32>,
        %swap3A_690 = vector.shape_cast %swap3A_689 : vector<1x16xi32> to vector<16xi32>
        %swap3A_691 = vector.shape_cast %add3A_686 : vector<16xi32> to vector<1x16xi32>
        tpu.vector_store %arg5[%swap3A_687, %swap3A_688], %swap3A_691 {strides = array<i32>} : memref<50x128xi32, #tpu.memory_space<vmem>>, vector<1x16xi32>,
        %get3A_692 = arith.index_cast %add3A_619 : i32 to index
        %get3A_693 = arith.constant 96 : index
        %get3A_694 = tpu.vector_load %arg5[%get3A_692, %get3A_693] {strides = array<i32>} : memref<50x128xi32, #tpu.memory_space<vmem>>, vector<1x16xi32>,
        %get3A_695 = vector.shape_cast %get3A_694 : vector<1x16xi32> to vector<16xi32>
        %add3A_696 = arith.constant 1 : i32
        %add3A_697 = vector.broadcast %add3A_696 : i32 to vector<16xi32>
        %add3A_698 = arith.addi %get3A_695, %add3A_697 : vector<16xi32>
        %swap3A_699 = arith.index_cast %add3A_619 : i32 to index
        %swap3A_700 = arith.constant 96 : index
        %swap3A_701 = tpu.vector_load %arg5[%swap3A_699, %swap3A_700] {strides = array<i32>} : memref<50x128xi32, #tpu.memory_space<vmem>>, vector<1x16xi32>,
        %swap3A_702 = vector.shape_cast %swap3A_701 : vector<1x16xi32> to vector<16xi32>
        %swap3A_703 = vector.shape_cast %add3A_698 : vector<16xi32> to vector<1x16xi32>
        tpu.vector_store %arg5[%swap3A_699, %swap3A_700], %swap3A_703 {strides = array<i32>} : memref<50x128xi32, #tpu.memory_space<vmem>>, vector<1x16xi32>,
        %get3A_704 = arith.index_cast %add3A_619 : i32 to index
        %get3A_705 = arith.constant 112 : index
        %get3A_706 = tpu.vector_load %arg5[%get3A_704, %get3A_705] {strides = array<i32>} : memref<50x128xi32, #tpu.memory_space<vmem>>, vector<1x16xi32>,
        %get3A_707 = vector.shape_cast %get3A_706 : vector<1x16xi32> to vector<16xi32>
        %add3A_708 = arith.constant 1 : i32
        %add3A_709 = vector.broadcast %add3A_708 : i32 to vector<16xi32>
        %add3A_710 = arith.addi %get3A_707, %add3A_709 : vector<16xi32>
        %swap3A_711 = arith.index_cast %add3A_619 : i32 to index
        %swap3A_712 = arith.constant 112 : index
        %swap3A_713 = tpu.vector_load %arg5[%swap3A_711, %swap3A_712] {strides = array<i32>} : memref<50x128xi32, #tpu.memory_space<vmem>>, vector<1x16xi32>,
        %swap3A_714 = vector.shape_cast %swap3A_713 : vector<1x16xi32> to vector<16xi32>
        %swap3A_715 = vector.shape_cast %add3A_710 : vector<16xi32> to vector<1x16xi32>
        tpu.vector_store %arg5[%swap3A_711, %swap3A_712], %swap3A_715 {strides = array<i32>} : memref<50x128xi32, #tpu.memory_space<vmem>>, vector<1x16xi32>,
        %add3A_716 = arith.constant 3 : i32
        %add3A_717 = arith.addi %add3A_536, %add3A_716 : i32
        %dma_start3A_718 = arith.constant 1 : i32
        %dma_start3A_719 = arith.constant 0 : i32
        %dma_start3A_720 = arith.constant 0 : i32
        %dma_start3A_721 = tpu.memref_slice %arg6[%dma_start3A_718, %dma_start3A_719, %dma_start3A_720] : memref<5x128x128xf32, #tpu.memory_space<vmem>> -> memref<1x128x128xf32, #tpu.memory_space<vmem>>
        %dma_start3A_722 = tpu.memref_squeeze %dma_start3A_721 : memref<1x128x128xf32, #tpu.memory_space<vmem>> -> memref<128x128xf32, #tpu.memory_space<vmem>>
        %dma_start3A_723 = arith.constant 0 : i32
        %dma_start3A_724 = tpu.memref_slice %arg5[%add3A_717, %dma_start3A_723] : memref<50x128xi32, #tpu.memory_space<vmem>> -> memref<1x128xi32, #tpu.memory_space<vmem>>
        %dma_start3A_725 = tpu.memref_squeeze %dma_start3A_724 : memref<1x128xi32, #tpu.memory_space<vmem>> -> memref<128xi32, #tpu.memory_space<vmem>>
        %dma_start3A_726 = arith.constant 0 : i32
        %dma_start3A_727 = arith.constant 0 : i32
        %dma_start3A_728 = tpu.memref_slice %arg3[%dma_start3A_726, %dma_start3A_727] : memref<100000x128xf32, #tpu.memory_space<hbm>> -> memref<100000x128xf32, #tpu.memory_space<hbm>>
        tpu.enqueue_indirect_dma source(%dma_start3A_728 : memref<100000x128xf32, #tpu.memory_space<hbm>>) target(%dma_start3A_722 : memref<128x128xf32, #tpu.memory_space<vmem>>) offsets(%dma_start3A_725 : memref<128xi32, #tpu.memory_space<vmem>>) semaphore(%arg8 : memref<!tpu.dma_semaphore, #tpu.memory_space<semaphore_mem>>)
      } else {
      }
      %mul3A_575 = arith.constant 5 : i32
      %mul3A_576 = arith.muli %scan3A_409, %mul3A_575 : i32
      %add3A_577 = arith.constant 4 : i32
      %add3A_578 = arith.addi %mul3A_576, %add3A_577 : i32
      %dma_wait3A_579 = arith.constant 4 : i32
      %dma_wait3A_580 = arith.constant 0 : i32
      %dma_wait3A_581 = arith.constant 0 : i32
      %dma_wait3A_582 = tpu.memref_slice %arg6[%dma_wait3A_579, %dma_wait3A_580, %dma_wait3A_581] : memref<5x128x128xf32, #tpu.memory_space<vmem>> -> memref<1x128x128xf32, #tpu.memory_space<vmem>>
      %dma_wait3A_583 = tpu.memref_squeeze %dma_wait3A_582 : memref<1x128x128xf32, #tpu.memory_space<vmem>> -> memref<128x128xf32, #tpu.memory_space<vmem>>
      %dma_wait3A_584 = arith.constant 0 : i32
      %dma_wait3A_585 = tpu.memref_slice %arg5[%add3A_578, %dma_wait3A_584] : memref<50x128xi32, #tpu.memory_space<vmem>> -> memref<1x128xi32, #tpu.memory_space<vmem>>
      %dma_wait3A_586 = tpu.memref_squeeze %dma_wait3A_585 : memref<1x128xi32, #tpu.memory_space<vmem>> -> memref<128xi32, #tpu.memory_space<vmem>>
      %dma_wait3A_587 = arith.constant 0 : i32
      %dma_wait3A_588 = arith.constant 0 : i32
      %dma_wait3A_589 = tpu.memref_slice %arg3[%dma_wait3A_587, %dma_wait3A_588] : memref<100000x128xf32, #tpu.memory_space<hbm>> -> memref<100000x128xf32, #tpu.memory_space<hbm>>
      tpu.wait_indirect_dma semaphore(%arg11 : memref<!tpu.dma_semaphore, #tpu.memory_space<semaphore_mem>>) src(%dma_wait3A_589 : memref<100000x128xf32, #tpu.memory_space<hbm>>) dst(%dma_wait3A_583 : memref<128x128xf32, #tpu.memory_space<vmem>>)
      %dma_start3A_590 = arith.constant 4 : i32
      %dma_start3A_591 = arith.constant 0 : i32
      %dma_start3A_592 = arith.constant 0 : i32
      %dma_start3A_593 = tpu.memref_slice %arg6[%dma_start3A_590, %dma_start3A_591, %dma_start3A_592] : memref<5x128x128xf32, #tpu.memory_space<vmem>> -> memref<1x128x128xf32, #tpu.memory_space<vmem>>
      %dma_start3A_594 = tpu.memref_squeeze %dma_start3A_593 : memref<1x128x128xf32, #tpu.memory_space<vmem>> -> memref<128x128xf32, #tpu.memory_space<vmem>>
      %dma_start3A_595 = arith.constant 0 : i32
      %dma_start3A_596 = tpu.memref_slice %arg4[%add3A_578, %mul3A_2, %dma_start3A_595] : memref<50x4096x128xf32, #tpu.memory_space<hbm>> -> memref<1x128x128xf32, #tpu.memory_space<hbm>>
      %dma_start3A_597 = tpu.memref_squeeze %dma_start3A_596 : memref<1x128x128xf32, #tpu.memory_space<hbm>> -> memref<128x128xf32, #tpu.memory_space<hbm>>
      %dma_start3A_598 = arith.constant 0 : i32
      %dma_start3A_599 = tpu.memref_slice %arg4[%add3A_578, %mul3A_2, %dma_start3A_598] : memref<50x4096x128xf32, #tpu.memory_space<hbm>> -> memref<1x128x128xf32, #tpu.memory_space<hbm>>
      %dma_start3A_600 = tpu.memref_squeeze %dma_start3A_599 : memref<1x128x128xf32, #tpu.memory_space<hbm>> -> memref<128x128xf32, #tpu.memory_space<hbm>>
      %dma_start3A_601 = arith.constant 0 : i32
      %dma_start3A_602 = arith.constant 0 : i32
      %dma_start3A_603 = tpu.memref_slice %arg6[%dma_start3A_590, %dma_start3A_601, %dma_start3A_602] : memref<5x128x128xf32, #tpu.memory_space<vmem>> -> memref<1x128x128xf32, #tpu.memory_space<vmem>>
      %dma_start3A_604 = tpu.memref_squeeze %dma_start3A_603 : memref<1x128x128xf32, #tpu.memory_space<vmem>> -> memref<128x128xf32, #tpu.memory_space<vmem>>
      tpu.enqueue_dma source(%dma_start3A_604 : memref<128x128xf32, #tpu.memory_space<vmem>>) target(%dma_start3A_600 : memref<128x128xf32, #tpu.memory_space<hbm>>) target_semaphore(%arg16 : memref<!tpu.dma_semaphore, #tpu.memory_space<semaphore_mem>>)
      %ge3A_605 = arith.constant 2 : i32
      %ge3A_606 = arith.cmpi sge, %add3A_578, %ge3A_605 : i32
      %convert_element_type3A_607 = arith.extui %ge3A_606 : i1 to i32
      %cond3A_608 = arith.constant 0 : i32
      %cond3A_609 = arith.cmpi ne, %convert_element_type3A_607, %cond3A_608 : i32
      scf.if %cond3A_609 {
        %sub3A = arith.constant 2 : i32
        %sub3A_618 = arith.subi %add3A_578, %sub3A : i32
        %dma_wait3A_619 = arith.constant 2 : i32
        %dma_wait3A_620 = arith.constant 0 : i32
        %dma_wait3A_621 = arith.constant 0 : i32
        %dma_wait3A_622 = tpu.memref_slice %arg6[%dma_wait3A_619, %dma_wait3A_620, %dma_wait3A_621] : memref<5x128x128xf32, #tpu.memory_space<vmem>> -> memref<1x128x128xf32, #tpu.memory_space<vmem>>
        %dma_wait3A_623 = tpu.memref_squeeze %dma_wait3A_622 : memref<1x128x128xf32, #tpu.memory_space<vmem>> -> memref<128x128xf32, #tpu.memory_space<vmem>>
        %dma_wait3A_624 = arith.constant 0 : i32
        %dma_wait3A_625 = tpu.memref_slice %arg4[%sub3A_618, %mul3A_2, %dma_wait3A_624] : memref<50x4096x128xf32, #tpu.memory_space<hbm>> -> memref<1x128x128xf32, #tpu.memory_space<hbm>>
        %dma_wait3A_626 = tpu.memref_squeeze %dma_wait3A_625 : memref<1x128x128xf32, #tpu.memory_space<hbm>> -> memref<128x128xf32, #tpu.memory_space<hbm>>
        %dma_wait3A_627 = arith.constant 0 : i32
        %dma_wait3A_628 = tpu.memref_slice %arg4[%sub3A_618, %mul3A_2, %dma_wait3A_627] : memref<50x4096x128xf32, #tpu.memory_space<hbm>> -> memref<1x128x128xf32, #tpu.memory_space<hbm>>
        %dma_wait3A_629 = tpu.memref_squeeze %dma_wait3A_628 : memref<1x128x128xf32, #tpu.memory_space<hbm>> -> memref<128x128xf32, #tpu.memory_space<hbm>>
        %dma_wait3A_630 = arith.constant 0 : i32
        %dma_wait3A_631 = arith.constant 0 : i32
        %dma_wait3A_632 = tpu.memref_slice %arg6[%dma_wait3A_619, %dma_wait3A_630, %dma_wait3A_631] : memref<5x128x128xf32, #tpu.memory_space<vmem>> -> memref<1x128x128xf32, #tpu.memory_space<vmem>>
        %dma_wait3A_633 = tpu.memref_squeeze %dma_wait3A_632 : memref<1x128x128xf32, #tpu.memory_space<vmem>> -> memref<128x128xf32, #tpu.memory_space<vmem>>
        tpu.wait_dma2 semaphore(%arg14 : memref<!tpu.dma_semaphore, #tpu.memory_space<semaphore_mem>>) src(%dma_wait3A_633 : memref<128x128xf32, #tpu.memory_space<vmem>>) dst(%dma_wait3A_629 : memref<128x128xf32, #tpu.memory_space<hbm>>)
      } else {
      }
      %add3A_610 = arith.constant 3 : i32
      %add3A_611 = arith.addi %add3A_578, %add3A_610 : i32
      %lt3A_612 = arith.constant 50 : i32
      %lt3A_613 = arith.cmpi slt, %add3A_611, %lt3A_612 : i32
      %convert_element_type3A_614 = arith.extui %lt3A_613 : i1 to i32
      %cond3A_615 = arith.constant 0 : i32
      %cond3A_616 = arith.cmpi ne, %convert_element_type3A_614, %cond3A_615 : i32
      scf.if %cond3A_616 {
        %add3A_618 = arith.constant 3 : i32
        %add3A_619 = arith.addi %add3A_578, %add3A_618 : i32
        %get3A_620 = arith.index_cast %add3A_619 : i32 to index
        %get3A_621 = arith.constant 0 : index
        %get3A_622 = tpu.vector_load %arg5[%get3A_620, %get3A_621] {strides = array<i32>} : memref<50x128xi32, #tpu.memory_space<vmem>>, vector<1x16xi32>,
        %get3A_623 = vector.shape_cast %get3A_622 : vector<1x16xi32> to vector<16xi32>
        %add3A_624 = arith.constant 1 : i32
        %add3A_625 = vector.broadcast %add3A_624 : i32 to vector<16xi32>
        %add3A_626 = arith.addi %get3A_623, %add3A_625 : vector<16xi32>
        %swap3A_627 = arith.index_cast %add3A_619 : i32 to index
        %swap3A_628 = arith.constant 0 : index
        %swap3A_629 = tpu.vector_load %arg5[%swap3A_627, %swap3A_628] {strides = array<i32>} : memref<50x128xi32, #tpu.memory_space<vmem>>, vector<1x16xi32>,
        %swap3A_630 = vector.shape_cast %swap3A_629 : vector<1x16xi32> to vector<16xi32>
        %swap3A_631 = vector.shape_cast %add3A_626 : vector<16xi32> to vector<1x16xi32>
        tpu.vector_store %arg5[%swap3A_627, %swap3A_628], %swap3A_631 {strides = array<i32>} : memref<50x128xi32, #tpu.memory_space<vmem>>, vector<1x16xi32>,
        %get3A_632 = arith.index_cast %add3A_619 : i32 to index
        %get3A_633 = arith.constant 16 : index
        %get3A_634 = tpu.vector_load %arg5[%get3A_632, %get3A_633] {strides = array<i32>} : memref<50x128xi32, #tpu.memory_space<vmem>>, vector<1x16xi32>,
        %get3A_635 = vector.shape_cast %get3A_634 : vector<1x16xi32> to vector<16xi32>
        %add3A_636 = arith.constant 1 : i32
        %add3A_637 = vector.broadcast %add3A_636 : i32 to vector<16xi32>
        %add3A_638 = arith.addi %get3A_635, %add3A_637 : vector<16xi32>
        %swap3A_639 = arith.index_cast %add3A_619 : i32 to index
        %swap3A_640 = arith.constant 16 : index
        %swap3A_641 = tpu.vector_load %arg5[%swap3A_639, %swap3A_640] {strides = array<i32>} : memref<50x128xi32, #tpu.memory_space<vmem>>, vector<1x16xi32>,
        %swap3A_642 = vector.shape_cast %swap3A_641 : vector<1x16xi32> to vector<16xi32>
        %swap3A_643 = vector.shape_cast %add3A_638 : vector<16xi32> to vector<1x16xi32>
        tpu.vector_store %arg5[%swap3A_639, %swap3A_640], %swap3A_643 {strides = array<i32>} : memref<50x128xi32, #tpu.memory_space<vmem>>, vector<1x16xi32>,
        %get3A_644 = arith.index_cast %add3A_619 : i32 to index
        %get3A_645 = arith.constant 32 : index
        %get3A_646 = tpu.vector_load %arg5[%get3A_644, %get3A_645] {strides = array<i32>} : memref<50x128xi32, #tpu.memory_space<vmem>>, vector<1x16xi32>,
        %get3A_647 = vector.shape_cast %get3A_646 : vector<1x16xi32> to vector<16xi32>
        %add3A_648 = arith.constant 1 : i32
        %add3A_649 = vector.broadcast %add3A_648 : i32 to vector<16xi32>
        %add3A_650 = arith.addi %get3A_647, %add3A_649 : vector<16xi32>
        %swap3A_651 = arith.index_cast %add3A_619 : i32 to index
        %swap3A_652 = arith.constant 32 : index
        %swap3A_653 = tpu.vector_load %arg5[%swap3A_651, %swap3A_652] {strides = array<i32>} : memref<50x128xi32, #tpu.memory_space<vmem>>, vector<1x16xi32>,
        %swap3A_654 = vector.shape_cast %swap3A_653 : vector<1x16xi32> to vector<16xi32>
        %swap3A_655 = vector.shape_cast %add3A_650 : vector<16xi32> to vector<1x16xi32>
        tpu.vector_store %arg5[%swap3A_651, %swap3A_652], %swap3A_655 {strides = array<i32>} : memref<50x128xi32, #tpu.memory_space<vmem>>, vector<1x16xi32>,
        %get3A_656 = arith.index_cast %add3A_619 : i32 to index
        %get3A_657 = arith.constant 48 : index
        %get3A_658 = tpu.vector_load %arg5[%get3A_656, %get3A_657] {strides = array<i32>} : memref<50x128xi32, #tpu.memory_space<vmem>>, vector<1x16xi32>,
        %get3A_659 = vector.shape_cast %get3A_658 : vector<1x16xi32> to vector<16xi32>
        %add3A_660 = arith.constant 1 : i32
        %add3A_661 = vector.broadcast %add3A_660 : i32 to vector<16xi32>
        %add3A_662 = arith.addi %get3A_659, %add3A_661 : vector<16xi32>
        %swap3A_663 = arith.index_cast %add3A_619 : i32 to index
        %swap3A_664 = arith.constant 48 : index
        %swap3A_665 = tpu.vector_load %arg5[%swap3A_663, %swap3A_664] {strides = array<i32>} : memref<50x128xi32, #tpu.memory_space<vmem>>, vector<1x16xi32>,
        %swap3A_666 = vector.shape_cast %swap3A_665 : vector<1x16xi32> to vector<16xi32>
        %swap3A_667 = vector.shape_cast %add3A_662 : vector<16xi32> to vector<1x16xi32>
        tpu.vector_store %arg5[%swap3A_663, %swap3A_664], %swap3A_667 {strides = array<i32>} : memref<50x128xi32, #tpu.memory_space<vmem>>, vector<1x16xi32>,
        %get3A_668 = arith.index_cast %add3A_619 : i32 to index
        %get3A_669 = arith.constant 64 : index
        %get3A_670 = tpu.vector_load %arg5[%get3A_668, %get3A_669] {strides = array<i32>} : memref<50x128xi32, #tpu.memory_space<vmem>>, vector<1x16xi32>,
        %get3A_671 = vector.shape_cast %get3A_670 : vector<1x16xi32> to vector<16xi32>
        %add3A_672 = arith.constant 1 : i32
        %add3A_673 = vector.broadcast %add3A_672 : i32 to vector<16xi32>
        %add3A_674 = arith.addi %get3A_671, %add3A_673 : vector<16xi32>
        %swap3A_675 = arith.index_cast %add3A_619 : i32 to index
        %swap3A_676 = arith.constant 64 : index
        %swap3A_677 = tpu.vector_load %arg5[%swap3A_675, %swap3A_676] {strides = array<i32>} : memref<50x128xi32, #tpu.memory_space<vmem>>, vector<1x16xi32>,
        %swap3A_678 = vector.shape_cast %swap3A_677 : vector<1x16xi32> to vector<16xi32>
        %swap3A_679 = vector.shape_cast %add3A_674 : vector<16xi32> to vector<1x16xi32>
        tpu.vector_store %arg5[%swap3A_675, %swap3A_676], %swap3A_679 {strides = array<i32>} : memref<50x128xi32, #tpu.memory_space<vmem>>, vector<1x16xi32>,
        %get3A_680 = arith.index_cast %add3A_619 : i32 to index
        %get3A_681 = arith.constant 80 : index
        %get3A_682 = tpu.vector_load %arg5[%get3A_680, %get3A_681] {strides = array<i32>} : memref<50x128xi32, #tpu.memory_space<vmem>>, vector<1x16xi32>,
        %get3A_683 = vector.shape_cast %get3A_682 : vector<1x16xi32> to vector<16xi32>
        %add3A_684 = arith.constant 1 : i32
        %add3A_685 = vector.broadcast %add3A_684 : i32 to vector<16xi32>
        %add3A_686 = arith.addi %get3A_683, %add3A_685 : vector<16xi32>
        %swap3A_687 = arith.index_cast %add3A_619 : i32 to index
        %swap3A_688 = arith.constant 80 : index
        %swap3A_689 = tpu.vector_load %arg5[%swap3A_687, %swap3A_688] {strides = array<i32>} : memref<50x128xi32, #tpu.memory_space<vmem>>, vector<1x16xi32>,
        %swap3A_690 = vector.shape_cast %swap3A_689 : vector<1x16xi32> to vector<16xi32>
        %swap3A_691 = vector.shape_cast %add3A_686 : vector<16xi32> to vector<1x16xi32>
        tpu.vector_store %arg5[%swap3A_687, %swap3A_688], %swap3A_691 {strides = array<i32>} : memref<50x128xi32, #tpu.memory_space<vmem>>, vector<1x16xi32>,
        %get3A_692 = arith.index_cast %add3A_619 : i32 to index
        %get3A_693 = arith.constant 96 : index
        %get3A_694 = tpu.vector_load %arg5[%get3A_692, %get3A_693] {strides = array<i32>} : memref<50x128xi32, #tpu.memory_space<vmem>>, vector<1x16xi32>,
        %get3A_695 = vector.shape_cast %get3A_694 : vector<1x16xi32> to vector<16xi32>
        %add3A_696 = arith.constant 1 : i32
        %add3A_697 = vector.broadcast %add3A_696 : i32 to vector<16xi32>
        %add3A_698 = arith.addi %get3A_695, %add3A_697 : vector<16xi32>
        %swap3A_699 = arith.index_cast %add3A_619 : i32 to index
        %swap3A_700 = arith.constant 96 : index
        %swap3A_701 = tpu.vector_load %arg5[%swap3A_699, %swap3A_700] {strides = array<i32>} : memref<50x128xi32, #tpu.memory_space<vmem>>, vector<1x16xi32>,
        %swap3A_702 = vector.shape_cast %swap3A_701 : vector<1x16xi32> to vector<16xi32>
        %swap3A_703 = vector.shape_cast %add3A_698 : vector<16xi32> to vector<1x16xi32>
        tpu.vector_store %arg5[%swap3A_699, %swap3A_700], %swap3A_703 {strides = array<i32>} : memref<50x128xi32, #tpu.memory_space<vmem>>, vector<1x16xi32>,
        %get3A_704 = arith.index_cast %add3A_619 : i32 to index
        %get3A_705 = arith.constant 112 : index
        %get3A_706 = tpu.vector_load %arg5[%get3A_704, %get3A_705] {strides = array<i32>} : memref<50x128xi32, #tpu.memory_space<vmem>>, vector<1x16xi32>,
        %get3A_707 = vector.shape_cast %get3A_706 : vector<1x16xi32> to vector<16xi32>
        %add3A_708 = arith.constant 1 : i32
        %add3A_709 = vector.broadcast %add3A_708 : i32 to vector<16xi32>
        %add3A_710 = arith.addi %get3A_707, %add3A_709 : vector<16xi32>
        %swap3A_711 = arith.index_cast %add3A_619 : i32 to index
        %swap3A_712 = arith.constant 112 : index
        %swap3A_713 = tpu.vector_load %arg5[%swap3A_711, %swap3A_712] {strides = array<i32>} : memref<50x128xi32, #tpu.memory_space<vmem>>, vector<1x16xi32>,
        %swap3A_714 = vector.shape_cast %swap3A_713 : vector<1x16xi32> to vector<16xi32>
        %swap3A_715 = vector.shape_cast %add3A_710 : vector<16xi32> to vector<1x16xi32>
        tpu.vector_store %arg5[%swap3A_711, %swap3A_712], %swap3A_715 {strides = array<i32>} : memref<50x128xi32, #tpu.memory_space<vmem>>, vector<1x16xi32>,
        %add3A_716 = arith.constant 3 : i32
        %add3A_717 = arith.addi %add3A_578, %add3A_716 : i32
        %dma_start3A_718 = arith.constant 2 : i32
        %dma_start3A_719 = arith.constant 0 : i32
        %dma_start3A_720 = arith.constant 0 : i32
        %dma_start3A_721 = tpu.memref_slice %arg6[%dma_start3A_718, %dma_start3A_719, %dma_start3A_720] : memref<5x128x128xf32, #tpu.memory_space<vmem>> -> memref<1x128x128xf32, #tpu.memory_space<vmem>>
        %dma_start3A_722 = tpu.memref_squeeze %dma_start3A_721 : memref<1x128x128xf32, #tpu.memory_space<vmem>> -> memref<128x128xf32, #tpu.memory_space<vmem>>
        %dma_start3A_723 = arith.constant 0 : i32
        %dma_start3A_724 = tpu.memref_slice %arg5[%add3A_717, %dma_start3A_723] : memref<50x128xi32, #tpu.memory_space<vmem>> -> memref<1x128xi32, #tpu.memory_space<vmem>>
        %dma_start3A_725 = tpu.memref_squeeze %dma_start3A_724 : memref<1x128xi32, #tpu.memory_space<vmem>> -> memref<128xi32, #tpu.memory_space<vmem>>
        %dma_start3A_726 = arith.constant 0 : i32
        %dma_start3A_727 = arith.constant 0 : i32
        %dma_start3A_728 = tpu.memref_slice %arg3[%dma_start3A_726, %dma_start3A_727] : memref<100000x128xf32, #tpu.memory_space<hbm>> -> memref<100000x128xf32, #tpu.memory_space<hbm>>
        tpu.enqueue_indirect_dma source(%dma_start3A_728 : memref<100000x128xf32, #tpu.memory_space<hbm>>) target(%dma_start3A_722 : memref<128x128xf32, #tpu.memory_space<vmem>>) offsets(%dma_start3A_725 : memref<128xi32, #tpu.memory_space<vmem>>) semaphore(%arg9 : memref<!tpu.dma_semaphore, #tpu.memory_space<semaphore_mem>>)
      } else {
      }
      %scan3A_617 = arith.constant 0 : i32
      scf.yield %scan3A_617 : i32
    }
    %scan3A_377 = arith.constant 10 : i32
    %dma_wait3A = arith.constant 3 : i32
    %dma_wait3A_378 = arith.constant 48 : i32
    %dma_wait3A_379 = arith.constant 0 : i32
    %dma_wait3A_380 = arith.constant 0 : i32
    %dma_wait3A_381 = tpu.memref_slice %arg6[%dma_wait3A, %dma_wait3A_379, %dma_wait3A_380] : memref<5x128x128xf32, #tpu.memory_space<vmem>> -> memref<1x128x128xf32, #tpu.memory_space<vmem>>
    %dma_wait3A_382 = tpu.memref_squeeze %dma_wait3A_381 : memref<1x128x128xf32, #tpu.memory_space<vmem>> -> memref<128x128xf32, #tpu.memory_space<vmem>>
    %dma_wait3A_383 = arith.constant 0 : i32
    %dma_wait3A_384 = tpu.memref_slice %arg4[%dma_wait3A_378, %mul3A_2, %dma_wait3A_383] : memref<50x4096x128xf32, #tpu.memory_space<hbm>> -> memref<1x128x128xf32, #tpu.memory_space<hbm>>
    %dma_wait3A_385 = tpu.memref_squeeze %dma_wait3A_384 : memref<1x128x128xf32, #tpu.memory_space<hbm>> -> memref<128x128xf32, #tpu.memory_space<hbm>>
    %dma_wait3A_386 = arith.constant 0 : i32
    %dma_wait3A_387 = tpu.memref_slice %arg4[%dma_wait3A_378, %mul3A_2, %dma_wait3A_386] : memref<50x4096x128xf32, #tpu.memory_space<hbm>> -> memref<1x128x128xf32, #tpu.memory_space<hbm>>
    %dma_wait3A_388 = tpu.memref_squeeze %dma_wait3A_387 : memref<1x128x128xf32, #tpu.memory_space<hbm>> -> memref<128x128xf32, #tpu.memory_space<hbm>>
    %dma_wait3A_389 = arith.constant 0 : i32
    %dma_wait3A_390 = arith.constant 0 : i32
    %dma_wait3A_391 = tpu.memref_slice %arg6[%dma_wait3A, %dma_wait3A_389, %dma_wait3A_390] : memref<5x128x128xf32, #tpu.memory_space<vmem>> -> memref<1x128x128xf32, #tpu.memory_space<vmem>>
    %dma_wait3A_392 = tpu.memref_squeeze %dma_wait3A_391 : memref<1x128x128xf32, #tpu.memory_space<vmem>> -> memref<128x128xf32, #tpu.memory_space<vmem>>
    tpu.wait_dma2 semaphore(%arg15 : memref<!tpu.dma_semaphore, #tpu.memory_space<semaphore_mem>>) src(%dma_wait3A_392 : memref<128x128xf32, #tpu.memory_space<vmem>>) dst(%dma_wait3A_388 : memref<128x128xf32, #tpu.memory_space<hbm>>)
    %dma_wait3A_393 = arith.constant 4 : i32
    %dma_wait3A_394 = arith.constant 49 : i32
    %dma_wait3A_395 = arith.constant 0 : i32
    %dma_wait3A_396 = arith.constant 0 : i32
    %dma_wait3A_397 = tpu.memref_slice %arg6[%dma_wait3A_393, %dma_wait3A_395, %dma_wait3A_396] : memref<5x128x128xf32, #tpu.memory_space<vmem>> -> memref<1x128x128xf32, #tpu.memory_space<vmem>>
    %dma_wait3A_398 = tpu.memref_squeeze %dma_wait3A_397 : memref<1x128x128xf32, #tpu.memory_space<vmem>> -> memref<128x128xf32, #tpu.memory_space<vmem>>
    %dma_wait3A_399 = arith.constant 0 : i32
    %dma_wait3A_400 = tpu.memref_slice %arg4[%dma_wait3A_394, %mul3A_2, %dma_wait3A_399] : memref<50x4096x128xf32, #tpu.memory_space<hbm>> -> memref<1x128x128xf32, #tpu.memory_space<hbm>>
    %dma_wait3A_401 = tpu.memref_squeeze %dma_wait3A_400 : memref<1x128x128xf32, #tpu.memory_space<hbm>> -> memref<128x128xf32, #tpu.memory_space<hbm>>
    %dma_wait3A_402 = arith.constant 0 : i32
    %dma_wait3A_403 = tpu.memref_slice %arg4[%dma_wait3A_394, %mul3A_2, %dma_wait3A_402] : memref<50x4096x128xf32, #tpu.memory_space<hbm>> -> memref<1x128x128xf32, #tpu.memory_space<hbm>>
    %dma_wait3A_404 = tpu.memref_squeeze %dma_wait3A_403 : memref<1x128x128xf32, #tpu.memory_space<hbm>> -> memref<128x128xf32, #tpu.memory_space<hbm>>
    %dma_wait3A_405 = arith.constant 0 : i32
    %dma_wait3A_406 = arith.constant 0 : i32
    %dma_wait3A_407 = tpu.memref_slice %arg6[%dma_wait3A_393, %dma_wait3A_405, %dma_wait3A_406] : memref<5x128x128xf32, #tpu.memory_space<vmem>> -> memref<1x128x128xf32, #tpu.memory_space<vmem>>
    %dma_wait3A_408 = tpu.memref_squeeze %dma_wait3A_407 : memref<1x128x128xf32, #tpu.memory_space<vmem>> -> memref<128x128xf32, #tpu.memory_space<vmem>>
    tpu.wait_dma2 semaphore(%arg16 : memref<!tpu.dma_semaphore, #tpu.memory_space<semaphore_mem>>) src(%dma_wait3A_408 : memref<128x128xf32, #tpu.memory_space<vmem>>) dst(%dma_wait3A_404 : memref<128x128xf32, #tpu.memory_space<hbm>>)
    return
  }
}

</mosaic_0001>

<sc_bundles>
// kernel: kernel.3.cloned.1.call-start
scs
__scs_entry_jumppad:
0x0: {  	(pc) =	sbr.rel $0x88, $3  }
0x1: {  	(tag) =	ssettag $0x0;
	lr =	simm.s32 $0x1  }
0x2: {  	[smem:$0x3F9F] =	sst lr;
	_ =	strace $0xD0000000  }
0x3: {  	_ = 	snop  }
0x4: {  	_ = 	snop  }
0x5: {  	_ = 	snop  }
0x6: {  	_ = 	snop  }
0x7: {  	_ = 	snop  }
__scs_overlays_trampoline_lowered:
0x8: {  	[smem:$0x3FAE] =	sst s0  }
0x9: {  	[smem:$0x3FAF] =	sst s1  }
0xa: {  	[smem:$0x3FB0] =	sst s2  }
0xb: {  	[smem:$0x3FB1] =	sst s3  }
0xc: {  	[smem:$0x3FB2] =	sst s4  }
0xd: {  	[smem:$0x3FB3] =	sst s5  }
0xe: {  	[smem:$0x3FB4] =	sst s6  }
0xf: {  	[smem:$0x3FB5] =	sst s7  }
0x10: {  	[smem:$0x3FB6] =	sst s8  }
0x11: {  	[smem:$0x3FB7] =	sst s9;
	s0 =	simm.s32 @!p0 $0x0  }
0x12: {  	s1 =	sld [smem:$0x3F9D];
	s0 =	simm.s32 @p0 $0x1  }
0x13: {  	[smem:$0x3FB8] =	sst s0;
	s0 =	simm.s32 @!p1 $0x0  }
0x14: {  	s2 =	sld [smem:$0x3F9C];
	s0 =	simm.s32 @p1 $0x1  }
0x15: {  	[smem:$0x3FB9] =	sst s0;
	s0 =	simm.s32 @!p2 $0x0  }
0x16: {  	s3 =	sld [smem:$0x3FDB];
	s0 =	simm.s32 @p2 $0x1  }
0x17: {  	s4 =	simm.s32 $0x1BF5;
	[smem:$0x3FBB] =	sst s0  }
0x18: {  	s0 =	sld [smem:$0x3F9E];
	_ =	swait.ge [sflag:s4], $0x0  }
0x19: {  	s7 =	sld [smem:$0x3F9F]  }
0x1a: {  	s8 =	sadd.s32 $0xFFFFE003, lr  }
0x1b: {  	s9 =	sadd.s32 $0xFFFFFEF7, lr;
	s5 =	simm.s32 $0xFFFFFFFF;
	p2 =	slt.u32 s8, $0xFFFFF086  }
0x1c: {  	p1 =	slt.u32 s9, $0xF7A;
	s5 =	simm.s32 @!p2 $0x0  }
0x1d: {  	s5 =	simm.s32 @p1 $0x1;
	p0 =	seq.s32 s7, s2  }
0x1e: {  	s7 =	smul.u32 @!p0 $0xF7A, s2;
	p2 =	seq.s32 @!p0 s5, $0x0  }
0x1f: {  	s9 =	smul.u32 $0xF7A, s1;
	s8 =	simm.s32 @!p0 $0x1BF5;
	p2 =	por !p2, p0  }
0x20: {  	[sflag:s8] =	ssyncset.s32 @!p0 $0xFFFFF086;
	s6 =	sadd.s32 @!p0 s3, s7;
	s7 =	simm.s32 @!p0 $0x108  }
0x21: {  	s3 =	sadd.s32 s3, s9;
	s6 =	sadd.s32 @!p0 $0x88, s6;
	s7 =	simm.s32 @p2 $0x1082  }
0x22: {  	[simem:s7], [sflag:s8] =	dma.local @!p0 [hbm:s6], $0xF7A  }
0x23: {  	s9 =	sor.u32 $0xD0000000, s2;
	s6 =	simm.s32 $0x108;
	_ =	swait.ge @!p0 [sflag:s8], $0x0  }
0x24: {  	s3 =	sadd.s32 $0x88, s3;
	s6 =	simm.s32 @!p1 $0x1082;
	[sflag:s4] =	ssyncset.s32 $0xFFFFF086  }
0x25: {  	[simem:s6], [sflag:s4] =	dma.local [hbm:s3], $0xF7A  }
0x26: {  	[smem:$0x3F9F] =	sst s1;
	(tag) =	ssettag s2;
	_ =	strace s9  }
0x27: {  	s1 =	sld [smem:$0x3FAF]  }
0x28: {  	s2 =	sld [smem:$0x3FB0]  }
0x29: {  	s4 =	sld [smem:$0x3FB2]  }
0x2a: {  	p0 =	seq.s32 s5, $0x0;
	s5 =	sld [smem:$0x3FB3]  }
0x2b: {  	s6 =	sld [smem:$0x3FB4]  }
0x2c: {  	s7 =	sld [smem:$0x3FB5]  }
0x2d: {  	s3 =	simm.s32 $0x108;
	s8 =	sld [smem:$0x3FB6]  }
0x2e: {  	s3 =	simm.s32 @!p0 $0x1082;
	s9 =	sld [smem:$0x3FB7]  }
0x2f: {  	lr =	sadd.s32 s0, s3;
	s0 =	sld [smem:$0x3FAE]  }
0x30: {  	s3 =	sld [smem:$0x3FB1]  }
0x31: {  	[smem:$0x3FBA] =	sst s10  }
0x32: {  	s10 =	sld [smem:$0x3FB8];
	_ =	sdelay $0x3  }
0x33: {  	p0 =	seq.s32 s10, $0x1;
	s10 =	sld [smem:$0x3FBA];
	_ =	sdelay $0x3  }
0x34: {  	[smem:$0x3FBA] =	sst s10  }
0x35: {  	s10 =	sld [smem:$0x3FB9];
	_ =	sdelay $0x3  }
0x36: {  	p1 =	seq.s32 s10, $0x1;
	s10 =	sld [smem:$0x3FBA];
	_ =	sdelay $0x3  }
0x37: {  	[smem:$0x3FBA] =	sst s10  }
0x38: {  	s10 =	sld [smem:$0x3FBB]  }
0x39: {  	_ = 	snop;
	(pc) =	sbr.ind lr, $3  }
0x3a: {  	_ = 	snop  }
0x3b: {  	_ = 	snop  }
0x3c: {  	p2 =	seq.s32 s10, $0x1;
	s10 =	sld [smem:$0x3FBA]  }
0x3d: {  	_ =	shalt  }
0x3e: {  	_ =	shalt  }
0x3f: {  	_ =	shalt  }
0x40: {  	_ =	shalt  }
0x41: {  	_ =	shalt  }
0x42: {  	_ =	shalt  }
0x43: {  	_ =	shalt  }
0x44: {  	_ =	shalt  }
0x45: {  	_ =	shalt  }
0x46: {  	_ =	shalt  }
0x47: {  	_ =	shalt  }
0x48: {  	_ =	shalt  }
0x49: {  	_ =	shalt  }
0x4a: {  	_ =	shalt  }
0x4b: {  	_ =	shalt  }
0x4c: {  	_ =	shalt  }
0x4d: {  	_ =	shalt  }
0x4e: {  	_ =	shalt  }
0x4f: {  	_ =	shalt  }
0x50: {  	_ =	shalt  }
0x51: {  	_ =	shalt  }
0x52: {  	_ =	shalt  }
0x53: {  	_ =	shalt  }
0x54: {  	_ =	shalt  }
0x55: {  	_ =	shalt  }
0x56: {  	_ =	shalt  }
0x57: {  	_ =	shalt  }
0x58: {  	_ =	shalt  }
0x59: {  	_ =	shalt  }
0x5a: {  	_ =	shalt  }
0x5b: {  	_ =	shalt  }
0x5c: {  	_ =	shalt  }
0x5d: {  	_ =	shalt  }
0x5e: {  	_ =	shalt  }
0x5f: {  	_ =	shalt  }
0x60: {  	_ =	shalt  }
0x61: {  	_ =	shalt  }
0x62: {  	_ =	shalt  }
0x63: {  	_ =	shalt  }
0x64: {  	_ =	shalt  }
0x65: {  	_ =	shalt  }
0x66: {  	_ =	shalt  }
0x67: {  	_ =	shalt  }
0x68: {  	_ =	shalt  }
0x69: {  	_ =	shalt  }
0x6a: {  	_ =	shalt  }
0x6b: {  	_ =	shalt  }
0x6c: {  	_ =	shalt  }
0x6d: {  	_ =	shalt  }
0x6e: {  	_ =	shalt  }
0x6f: {  	_ =	shalt  }
0x70: {  	_ =	shalt  }
0x71: {  	_ =	shalt  }
0x72: {  	_ =	shalt  }
0x73: {  	_ =	shalt  }
0x74: {  	_ =	shalt  }
0x75: {  	_ =	shalt  }
0x76: {  	_ =	shalt  }
0x77: {  	_ =	shalt  }
0x78: {  	_ =	shalt  }
0x79: {  	_ =	shalt  }
0x7a: {  	_ =	shalt  }
0x7b: {  	_ =	shalt  }
0x7c: {  	_ =	shalt  }
0x7d: {  	_ =	shalt  }
0x7e: {  	_ =	shalt  }
0x7f: {  	_ =	shalt  }
0x80: {  	_ =	shalt  }
0x81: {  	_ =	shalt  }
0x82: {  	_ =	shalt  }
0x83: {  	_ =	shalt  }
0x84: {  	_ =	shalt  }
0x85: {  	_ =	shalt  }
0x86: {  	_ =	shalt  }
0x87: {  	_ =	shalt  }
.Lfunc_end0:
.L_simem_size_0:
called_computation_lowered:
.L_overlay_start_0:
0x88: {  	s2 =	sld [smem:$0x3FD9]  }
0x89: {  	s3 =	sld [smem:$0x3FFE];
	_ =	sdelay $0x1  }
0x8a: {  	s1 =	srdreg.scid  }
0x8b: {  	s0 =	sand.u32 $0x1, s1  }
0x8c: {  	s18 =	sshll.u32 s0, $0xA;
	s2 =	sadd.s32 s3, s2  }
0x8d: {  	s2 =	sadd.s32 s2, s18  }
0x8e: {  	[smem:$0x3FC6] =	sst s2  }
0x8f: {  	_ = 	snop  }
0x90: {  	s2 =	sld [smem:$0x3FC9]  }
0x91: {  	s19 =	sld [smem:$0x3FC8]  }
0x92: {  	s4 =	sld [smem:$0x3FD0];
	(tm) =	ssettm $0x1  }
0x93: {  	s5 =	sld [smem:$0x3FFB];
	_ =	sdelay $0x3  }
0x94: {  	_ =	strace s5  }
0x95: {  	s5 =	sld [smem:$0x3FFC];
	_ =	sdelay $0x3  }
0x96: {  	_ =	strace s5  }
0x97: {  	s5 =	sld [smem:$0x3FFD];
	_ =	sdelay $0x3  }
0x98: {  	_ =	strace s5  }
0x99: {  	_ =	strace $0x8FFFFFFF  }
0x9a: {  	s20 =	sld [smem:$0x3FDB];
	_ =	sdelay $0x1  }
0x9b: {  	s6 =	simm.s32 $_scs_section_size  }
0x9c: {  	s7 =	simm.s32 $_size__tile_overlayer_lowered;
	s8 =	simm.s32 $_tile_overlayer_lowered  }
0x9d: {  	s23 =	simm.s32 $0x1BFF;
	s22 =	sshll.u32 s8, $0x1;
	s5 =	sadd.s32 s6, s20  }
0x9e: {  	s9 =	simm.s32 $0x0;
	s21 =	sshll.u32 s7, $0x1;
	s7 =	sadd.s32 s22, s5  }
0x9f: {  	[timem:s9], [sflag:s23] =	dma.local [hbm:s7], s21  }
0xa0: {  	_ =	swait.ge [sflag:s23], s21  }
0xa1: {  	s6 =	ssub.s32 $0x0, s21;
	[sflag:s23] =	ssyncset.done $0x0  }
0xa2: {  	[sflag:s23] =	ssyncadd.s32 s6;
	_ =	sdelay $0x1  }
0xa3: {  	s24 =	simm.s32 $0x1B8B  }
0xa4: {  	_ =	swait.ge [sflag:s24], $0x1  }
0xa5: {  	[sflag:s24] =	ssyncset.done $0x0  }
0xa6: {  	s25 =	simm.s32 $0x1B8E;
	[sflag:s24] =	ssyncadd.s32 $0xFFFFFFFF  }
0xa7: {  	s26 =	simm.s32 $execute0_lowered;
	[smem:$0x3FD2] =	sst s25  }
0xa8: {  	s6 =	sshll.u32 s26, $0x1;
	_ =	strace $0x80000046;
	[dreg:$0x1] =	wrdreg $0xFFFFFFFF  }
0xa9: {  	s28 =	simm.s32 $_size_execute0_lowered;
	s5 =	sadd.s32 s5, s6;
	[dreg:$0x0] =	wrdreg $0x0  }
0xaa: {  	s6 =	sshll.u32 s28, $0x1;
	[dreg:$0x2] =	wrdreg s5  }
0xab: {  	[dreg:$0x3] =	wrdreg s6  }
0xac: {  	[dreg:$0x4] =	wrdreg $0xC0  }
0xad: {  	_ =	task [dreg:s9], $0x5FFFF  }
0xae: {  	[dreg:$0x1] =	wrdreg $0xFFFFFFFF  }
0xaf: {  	[dreg:$0x0] =	wrdreg $0x60  }
0xb0: {  	[dreg:$0x2] =	wrdreg s2  }
0xb1: {  	[dreg:$0x3] =	wrdreg s19  }
0xb2: {  	[dreg:$0x4] =	wrdreg s4  }
0xb3: {  	[dreg:$0x5] =	wrdreg $0x9  }
0xb4: {  	_ =	task.clear_ibuf [dreg:s9], $0x6FFFF;
	_ =	strace $0x90000046  }
0xb5: {  	s29 =	simm.s32 $0x9;
	_ =	strace $0x80000048  }
0xb6: {  	_ =	swait.ge [sflag:s29], $0x1  }
0xb7: {  	[sflag:s29] =	ssyncadd.s32 $0xFFFFFFFF  }
0xb8: {  	_ =	strace $0x90000048  }
0xb9: {  	_ =	sfence  }
0xba: {  	s30 =	sld [smem:$0x0];
	_ =	sdelay $0x2  }
0xbb: {  	s31 =	sshll.u32 s1, $0xD;
	s1 =	sshrl.u32 s1, $0x2  }
0xbc: {  	s3 =	sand.u32 $0x4000, s31;
	s1 =	sadd.s32 s1, s30  }
0xbd: {  	s0 =	sor.u32 s3, s0;
	s1 =	sshll.u32 s1, $0x11  }
0xbe: {  	s0 =	sor.u32 s1, s0  }
0xbf: {  	s0 =	sadd.s32 $0x8F2B, s0  }
0xc0: {  	[sflag:s0] =	ssyncadd.remote.s32 $0x1  }
0xc1: {  	_ =	sfence.sel $0xFFFF  }
0xc2: {  	[dreg:$0x0] =	wrdreg $0xFFFFFFFF;
	(pc) =	sbr.abs _section_cstart, $3  }
0xc3: {  	[dreg:$0x1] =	wrdreg $0xFFFFFFFF  }
0xc4: {  	_ =	task.clear_ibuf [dreg:s9], $0x2FFFF;
	_ =	strace $0x9FFFFFFF  }
0xc5: {  	(tm) =	ssettm $0x7FFFFFFF  }
tec
execute0_lowered:
.L_overlay_start_1:
0x0: {  	(tag) =	ssettag $0x1  }
0x1: {  	s0 =	rddreg [dreg:$0x0]  }
0x2: {  	s1 =	rddreg [dreg:$0x1]  }
0x3: {  	s2 =	rddreg [dreg:$0x2];
	s4 =	srdreg.scid;
	s3 =	simm.s32 $0x0  }
0x4: {  	s9 =	stileid.u32;
	s15 =	simm.s32 $0xB;
	s16 =	simm.s32 $0x80  }
0x5: {  	s17 =	simm.s32 $0x1C00;
	s18 =	simm.s32 $0x5C00;
	s28 =	simm.s32 $0x4  }
0x6: {  	s29 =	simm.s32 $0x7;
	s30 =	simm.s32 $0x5;
	s31 =	simm.s32 $0x8  }
0x7: {  	s12 =	simm.s32 $0x0;
	s4 =	sand.u32 $0x1, s4;
	[smem:$0x7FF] =	sst s3  }
0x8: {  	s7 =	sshll.u32 s9, $0x8;
	s9 =	sshll.u32 s9, $0xF;
	s5 =	ssub.s32 $0x2, s4  }
0x9: {  	_ =	strace $0x80000047;
	s8 =	sshll.u32 s4, $0x7;
	s4 =	sshll.u32 s4, $0xE  }
0xa: {  	s6 =	sshrl.u32 s5, $0x1;
	s19 =	sor.u32 s8, s7;
	s4 =	sor.u32 s4, s9  }
0xb: {  	s5 =	ssub.s32 s5, s6;
	s7 =	sadd.s32 s0, s19;
	s20 =	sor.u32 $0x180000, s4  }
0xc: {  	s21 =	sor.u32 $0x200000, s4;
	s23 =	sshrl.u32 s4, $0x3;
	s24 =	sor.u32 $0x80000, s4  }
0xd: {  	s4 =	sor.u32 $0x100000, s4;
	[dreg:$0x4] =	wrdreg s7;
	s7 =	sadd.s32 $0x6000, s7  }
0xe: {  	s0 =	sshrl.u32 s20, $0x3;
	s6 =	sshrl.u32 s21, $0x3;
	s5 =	smax.u32 s5, $0x1  }
0xf: {  	s25 =	sshrl.u32 s24, $0x3;
	s4 =	sshrl.u32 s4, $0x3;
	[dreg:$0x5] =	wrdreg s7  }
0x10: {  	s20 =	simm.s32 $0x9C00;
	[dreg:$0x6] =	wrdreg s5;
	s0 =	sadd.s32 s0, s2  }
0x11: {  	s21 =	simm.s32 $0x1;
	s22 =	sadd.s32 s6, s2;
	[dreg:$0x7] =	wrdreg s0  }
.Ltmp0:
0x12: {  	s26 =	sadd.s32 s4, s2;
	[dreg:$0x8] =	wrdreg s22;
	(pc) =	sbr.rel .LBB2_1-.Ltmp0, $4  }
0x13: {  	s24 =	simm.s32 $0x11C00;
	s0 =	sadd.s32 s23, s2;
	[dreg:$0xb] =	wrdreg s26  }
0x14: {  	s22 =	simm.s32 $0xDC00;
	s23 =	simm.s32 $0x2;
	s26 =	simm.s32 $0x6  }
0x15: {  	[dreg:$0x9] =	wrdreg s0;
	s0 =	sadd.s32 s25, s2;
	s25 =	simm.s32 $0x3  }
0x16: {  	s2 =	simm.s32 $0xA;
	[dreg:$0xa] =	wrdreg s0;
	s0 =	simm.s32 $0x9  }
.LBB2_4:
0x17: {  	_ =	swait.ge [sflag:s0], $0x4000  }
0x18: {  	[sflag:s0] =	ssyncset.done $0x0  }
0x19: {  	[sflag:s0] =	ssyncadd.s32 $0xFFFFC000  }
0x1a: {  	_ =	swait.ge [sflag:s2], $0x4000  }
0x1b: {  	s12 =	sadd.s32 $0x1, s12;
	s4 =	rddreg [dreg:$0x6]  }
0x1c: {  	p0 =	sne.s32 s12, s4  }
.Ltmp1:
0x1d: {  	_ = 	snop;
	(pc) =	sbr.rel @!p0 .LBB2_5-.Ltmp1, $3  }
0x1e: {  	_ =	sdelay $0x1  }
0x1f: {  	[sflag:s2] =	ssyncset.done $0x0  }
0x20: {  	[sflag:s2] =	ssyncadd.s32 $0xFFFFC000  }
.LBB2_1:
0x21: {  	s4 =	rddreg [dreg:$0x4];
	s5 =	simm.s32 $0x400;
	s6 =	simm.s32 $0x8000  }
0x22: {  	[tilespmem:s3], [sflag:$0xB] =	stream.strided.gather [hbm4b:s4+s5], $0x1800, s6, s5, $0x38;
	[tilespmem:$0x15C00] =	vst v63  }
0x23: {  	s13 =	rddreg [dreg:$0x5];
	s14 =	simm.s32 $0x1800  }
0x24: {  	[tilespmem:s14], [sflag:$0xB] =	stream.linear.gather [hbm4b:s13+s3], $0x100, $0x38;
	[tilespmem:$0x15C00] =	vst v63  }
0x25: {  	_ =	swait.ge [sflag:s15], $0x1900  }
0x26: {  	[sflag:s15] =	ssyncset.done $0x0  }
0x27: {  	[sflag:s15] =	ssyncadd.s32 $0xFFFFE700  }
0x28: {  	v0 =	vld [tilespmem:$0x0]  }
0x29: {  	v1 =	vld [tilespmem:$0x10]  }
0x2a: {  	v2 =	vld [tilespmem:$0x20]  }
0x2b: {  	v3 =	vld [tilespmem:$0x30]  }
0x2c: {  	v4 =	vld [tilespmem:$0x40]  }
0x2d: {  	v5 =	vld [tilespmem:$0x50];
	v0 =	vadd.s32 $0x1, v0  }
0x2e: {  	v26 =	vld [tilespmem:$0x60];
	v25 =	vadd.s32 $0x1, v1;
	[tilespmem:$0x0] =	vst v0  }
0x2f: {  	v28 =	vld [tilespmem:$0x70];
	v27 =	vadd.s32 $0x1, v2;
	[tilespmem:$0x10] =	vst v25  }
0x30: {  	v29 =	vadd.s32 $0x1, v3;
	[tilespmem:$0x20] =	vst v27  }
0x31: {  	v30 =	vadd.s32 $0x1, v4;
	[tilespmem:$0x30] =	vst v29  }
0x32: {  	v31 =	vadd.s32 $0x1, v5;
	[tilespmem:$0x40] =	vst v30  }
0x33: {  	v32 =	vadd.s32 $0x1, v26;
	[tilespmem:$0x50] =	vst v31  }
0x34: {  	v33 =	vadd.s32 $0x1, v28;
	[tilespmem:$0x60] =	vst v32  }
0x35: {  	[tilespmem:$0x70] =	vst v33  }
0x36: {  	[tilespmem:s17], [sflag:$0x1] =	stream.indirect.gather [hbm4b:s1+s16], $0x80, s3, s16, $0xb8;
	[tilespmem:$0x15C00] =	vst v63  }
0x37: {  	v34 =	vld [tilespmem:$0x80]  }
0x38: {  	v35 =	vld [tilespmem:$0x90]  }
0x39: {  	v36 =	vld [tilespmem:$0xA0]  }
0x3a: {  	v37 =	vld [tilespmem:$0xB0]  }
0x3b: {  	v38 =	vld [tilespmem:$0xC0]  }
0x3c: {  	v39 =	vld [tilespmem:$0xD0];
	v0 =	vadd.s32 $0x1, v34  }
0x3d: {  	v41 =	vld [tilespmem:$0xE0];
	v40 =	vadd.s32 $0x1, v35;
	[tilespmem:$0x80] =	vst v0  }
0x3e: {  	v43 =	vld [tilespmem:$0xF0];
	v42 =	vadd.s32 $0x1, v36;
	[tilespmem:$0x90] =	vst v40  }
0x3f: {  	v44 =	vadd.s32 $0x1, v37;
	[tilespmem:$0xA0] =	vst v42  }
0x40: {  	v45 =	vadd.s32 $0x1, v38;
	[tilespmem:$0xB0] =	vst v44  }
0x41: {  	v46 =	vadd.s32 $0x1, v39;
	[tilespmem:$0xC0] =	vst v45  }
0x42: {  	v47 =	vadd.s32 $0x1, v41;
	[tilespmem:$0xD0] =	vst v46  }
0x43: {  	v48 =	vadd.s32 $0x1, v43;
	[tilespmem:$0xE0] =	vst v47  }
0x44: {  	[tilespmem:$0xF0] =	vst v48  }
0x45: {  	[tilespmem:s18], [sflag:$0x2] =	stream.indirect.gather [hbm4b:s1+s16], $0x80, s16, s16, $0xb8;
	[tilespmem:$0x15C00] =	vst v63  }
0x46: {  	v49 =	vld [tilespmem:$0x100]  }
0x47: {  	v50 =	vld [tilespmem:$0x110]  }
0x48: {  	v51 =	vld [tilespmem:$0x120]  }
0x49: {  	v52 =	vld [tilespmem:$0x130]  }
0x4a: {  	v53 =	vld [tilespmem:$0x140]  }
0x4b: {  	v54 =	vld [tilespmem:$0x150];
	v0 =	vadd.s32 $0x1, v49  }
0x4c: {  	v56 =	vld [tilespmem:$0x160];
	v55 =	vadd.s32 $0x1, v50;
	[tilespmem:$0x100] =	vst v0  }
0x4d: {  	v58 =	vld [tilespmem:$0x170];
	v57 =	vadd.s32 $0x1, v51;
	[tilespmem:$0x110] =	vst v55  }
0x4e: {  	v59 =	vadd.s32 $0x1, v52;
	[tilespmem:$0x120] =	vst v57  }
0x4f: {  	s11 =	rddreg [dreg:$0xb];
	v60 =	vadd.s32 $0x1, v53;
	[tilespmem:$0x130] =	vst v59  }
0x50: {  	s10 =	rddreg [dreg:$0xa];
	v61 =	vadd.s32 $0x1, v54;
	[tilespmem:$0x140] =	vst v60  }
0x51: {  	s9 =	rddreg [dreg:$0x9];
	v62 =	vadd.s32 $0x1, v56;
	[tilespmem:$0x150] =	vst v61  }
0x52: {  	s8 =	rddreg [dreg:$0x8];
	v63 =	vadd.s32 $0x1, v58;
	[tilespmem:$0x160] =	vst v62  }
0x53: {  	s19 =	simm.s32 $0x100;
	s4 =	simm.s32 $0x0;
	s7 =	rddreg [dreg:$0x7];
	[tilespmem:$0x170] =	vst v63  }
0x54: {  	[tilespmem:s20], [sflag:$0x3] =	stream.indirect.gather [hbm4b:s1+s16], $0x80, s19, s16, $0xb8;
	[tilespmem:$0x15C00] =	vst v63  }
.LBB2_2:
0x55: {  	_ =	swait.ge [sflag:s21], $0x4000  }
0x56: {  	p0 =	seq.s32 s4, $0x0;
	[sflag:s21] =	ssyncset.done $0x0  }
0x57: {  	s6 =	simm.s32 @!p0 $0x9;
	[sflag:s21] =	ssyncadd.s32 $0xFFFFC000  }
0x58: {  	[hbm4b:s9+s3] =	stream.linear.scatter [tilespmem:s17], [sflag:$0x6], $0x4000, $0x38;
	[tilespmem:$0x15C00] =	vst v63  }
0x59: {  	_ =	swait.ge @!p0 [sflag:s6], $0x4000  }
0x5a: {  	[sflag:s6] =	ssyncset.done @!p0 $0x0  }
0x5b: {  	[sflag:s6] =	ssyncadd.s32 @!p0 $0xFFFFC000;
	s6 =	sshra.s32 s4, $0x2  }
0x5c: {  	v0 =	vld [tilespmem:s6+$0x180]  }
0x5d: {  	v1 =	vld [tilespmem:s6+$0x190]  }
0x5e: {  	v2 =	vld [tilespmem:s6+$0x1A0]  }
0x5f: {  	v3 =	vld [tilespmem:s6+$0x1B0]  }
0x60: {  	v4 =	vld [tilespmem:s6+$0x1C0]  }
0x61: {  	v5 =	vld [tilespmem:s6+$0x1D0];
	v0 =	vadd.s32 $0x1, v0  }
0x62: {  	v41 =	vld [tilespmem:s6+$0x1E0];
	v40 =	vadd.s32 $0x1, v1;
	[tilespmem:s6+$0x180] =	vst v0  }
0x63: {  	v43 =	vld [tilespmem:s6+$0x1F0];
	v42 =	vadd.s32 $0x1, v2;
	[tilespmem:s6+$0x190] =	vst v40  }
0x64: {  	v44 =	vadd.s32 $0x1, v3;
	[tilespmem:s6+$0x1A0] =	vst v42  }
0x65: {  	v45 =	vadd.s32 $0x1, v4;
	[tilespmem:s6+$0x1B0] =	vst v44  }
0x66: {  	v46 =	vadd.s32 $0x1, v5;
	[tilespmem:s6+$0x1C0] =	vst v45  }
0x67: {  	v47 =	vadd.s32 $0x1, v41;
	[tilespmem:s6+$0x1D0] =	vst v46  }
0x68: {  	v48 =	vadd.s32 $0x1, v43;
	[tilespmem:s6+$0x1E0] =	vst v47  }
0x69: {  	s5 =	sadd.s32 $0x180, s6;
	[tilespmem:s6+$0x1F0] =	vst v48  }
0x6a: {  	[tilespmem:s22], [sflag:$0x4] =	stream.indirect.gather [hbm4b:s1+s16], $0x80, s5, s16, $0xb8;
	[tilespmem:$0x15C00] =	vst v63  }
0x6b: {  	_ =	swait.ge [sflag:s23], $0x4000  }
0x6c: {  	[sflag:s23] =	ssyncset.done $0x0  }
0x6d: {  	s5 =	simm.s32 @!p0 $0xA;
	[sflag:s23] =	ssyncadd.s32 $0xFFFFC000  }
0x6e: {  	[hbm4b:s10+s3] =	stream.linear.scatter [tilespmem:s18], [sflag:$0x7], $0x4000, $0x38;
	[tilespmem:$0x15C00] =	vst v63  }
0x6f: {  	_ =	swait.ge @!p0 [sflag:s5], $0x4000  }
0x70: {  	[sflag:s5] =	ssyncset.done @!p0 $0x0  }
0x71: {  	[sflag:s5] =	ssyncadd.s32 @!p0 $0xFFFFC000  }
0x72: {  	v49 =	vld [tilespmem:s6+$0x200]  }
0x73: {  	v50 =	vld [tilespmem:s6+$0x210]  }
0x74: {  	v51 =	vld [tilespmem:s6+$0x220]  }
0x75: {  	v52 =	vld [tilespmem:s6+$0x230]  }
0x76: {  	v53 =	vld [tilespmem:s6+$0x240]  }
0x77: {  	v54 =	vld [tilespmem:s6+$0x250];
	v0 =	vadd.s32 $0x1, v49  }
0x78: {  	v56 =	vld [tilespmem:s6+$0x260];
	v55 =	vadd.s32 $0x1, v50;
	[tilespmem:s6+$0x200] =	vst v0  }
0x79: {  	v58 =	vld [tilespmem:s6+$0x270];
	v57 =	vadd.s32 $0x1, v51;
	[tilespmem:s6+$0x210] =	vst v55  }
0x7a: {  	v59 =	vadd.s32 $0x1, v52;
	[tilespmem:s6+$0x220] =	vst v57  }
0x7b: {  	v60 =	vadd.s32 $0x1, v53;
	[tilespmem:s6+$0x230] =	vst v59  }
0x7c: {  	v61 =	vadd.s32 $0x1, v54;
	[tilespmem:s6+$0x240] =	vst v60  }
0x7d: {  	v62 =	vadd.s32 $0x1, v56;
	[tilespmem:s6+$0x250] =	vst v61  }
0x7e: {  	v63 =	vadd.s32 $0x1, v58;
	[tilespmem:s6+$0x260] =	vst v62  }
0x7f: {  	s19 =	sadd.s32 $0x200, s6;
	[tilespmem:s6+$0x270] =	vst v63  }
0x80: {  	[tilespmem:s24], [sflag:$0x5] =	stream.indirect.gather [hbm4b:s1+s16], $0x80, s19, s16, $0xb8;
	[tilespmem:$0x15C00] =	vst v63  }
0x81: {  	_ =	swait.ge [sflag:s25], $0x4000  }
0x82: {  	[sflag:s25] =	ssyncset.done $0x0  }
0x83: {  	[sflag:s25] =	ssyncadd.s32 $0xFFFFC000  }
0x84: {  	[hbm4b:s11+s3] =	stream.linear.scatter [tilespmem:s20], [sflag:$0x8], $0x4000, $0x38;
	[tilespmem:$0x15C00] =	vst v63  }
0x85: {  	_ =	swait.ge [sflag:s26], $0x4000  }
0x86: {  	p0 =	seq.s32 s4, $0x5A00;
	[sflag:s26] =	ssyncset.done $0x0  }
0x87: {  	s5 =	sshra.s32 @!p0 s4, $0x2;
	[sflag:s26] =	ssyncadd.s32 $0xFFFFC000  }
0x88: {  	v0 =	vld @!p0 [tilespmem:s5+$0x280]  }
0x89: {  	v1 =	vld @!p0 [tilespmem:s5+$0x290]  }
0x8a: {  	v2 =	vld @!p0 [tilespmem:s5+$0x2A0]  }
0x8b: {  	v3 =	vld @!p0 [tilespmem:s5+$0x2B0]  }
0x8c: {  	v4 =	vld @!p0 [tilespmem:s5+$0x2C0]  }
0x8d: {  	v5 =	vld @!p0 [tilespmem:s5+$0x2D0];
	v0 =	vadd.s32 @!p0 $0x1, v0  }
0x8e: {  	[tilespmem:s5+$0x280] =	vst @!p0 v0;
	v0 =	vadd.s32 @!p0 $0x1, v1;
	v1 =	vld @!p0 [tilespmem:s5+$0x2E0]  }
0x8f: {  	[tilespmem:s5+$0x290] =	vst @!p0 v0;
	v0 =	vadd.s32 @!p0 $0x1, v2;
	v2 =	vld @!p0 [tilespmem:s5+$0x2F0]  }
0x90: {  	[tilespmem:s5+$0x2A0] =	vst @!p0 v0;
	v0 =	vadd.s32 @!p0 $0x1, v3  }
0x91: {  	[tilespmem:s5+$0x2B0] =	vst @!p0 v0;
	v0 =	vadd.s32 @!p0 $0x1, v4  }
0x92: {  	[tilespmem:s5+$0x2C0] =	vst @!p0 v0;
	v0 =	vadd.s32 @!p0 $0x1, v5  }
0x93: {  	[tilespmem:s5+$0x2D0] =	vst @!p0 v0;
	v0 =	vadd.s32 @!p0 $0x1, v1  }
0x94: {  	[tilespmem:s5+$0x2E0] =	vst @!p0 v0;
	v0 =	vadd.s32 @!p0 $0x1, v2  }
0x95: {  	s14 =	simm.s32 @!p0 $0x80;
	s13 =	simm.s32 @!p0 $0x1C00;
	s19 =	sadd.s32 @!p0 $0x280, s5;
	[tilespmem:s5+$0x2F0] =	vst @!p0 v0  }
0x96: {  	[tilespmem:s13], [sflag:$0x1] =	stream.indirect.gather @!p0 [hbm4b:s1+s14], $0x80, s19, s14, $0xb8;
	[tilespmem:$0x15C00] =	vst v63  }
0x97: {  	_ =	swait.ge [sflag:s28], $0x4000  }
0x98: {  	[sflag:s28] =	ssyncset.done $0x0  }
0x99: {  	[sflag:s28] =	ssyncadd.s32 $0xFFFFC000  }
0x9a: {  	[hbm4b:s7+s3] =	stream.linear.scatter [tilespmem:s22], [sflag:$0x9], $0x4000, $0x38;
	[tilespmem:$0x15C00] =	vst v63  }
0x9b: {  	_ =	swait.ge [sflag:s29], $0x4000  }
0x9c: {  	[sflag:s29] =	ssyncset.done $0x0  }
0x9d: {  	[sflag:s29] =	ssyncadd.s32 $0xFFFFC000  }
0x9e: {  	v0 =	vld @!p0 [tilespmem:s5+$0x300]  }
0x9f: {  	v1 =	vld @!p0 [tilespmem:s5+$0x310]  }
0xa0: {  	v2 =	vld @!p0 [tilespmem:s5+$0x320]  }
0xa1: {  	v3 =	vld @!p0 [tilespmem:s5+$0x330]  }
0xa2: {  	v4 =	vld @!p0 [tilespmem:s5+$0x340]  }
0xa3: {  	v5 =	vld @!p0 [tilespmem:s5+$0x350];
	v0 =	vadd.s32 @!p0 $0x1, v0  }
0xa4: {  	[tilespmem:s5+$0x300] =	vst @!p0 v0;
	v0 =	vadd.s32 @!p0 $0x1, v1;
	v1 =	vld @!p0 [tilespmem:s5+$0x360]  }
0xa5: {  	[tilespmem:s5+$0x310] =	vst @!p0 v0;
	v0 =	vadd.s32 @!p0 $0x1, v2;
	v2 =	vld @!p0 [tilespmem:s5+$0x370]  }
0xa6: {  	[tilespmem:s5+$0x320] =	vst @!p0 v0;
	v0 =	vadd.s32 @!p0 $0x1, v3  }
0xa7: {  	[tilespmem:s5+$0x330] =	vst @!p0 v0;
	v0 =	vadd.s32 @!p0 $0x1, v4  }
0xa8: {  	[tilespmem:s5+$0x340] =	vst @!p0 v0;
	v0 =	vadd.s32 @!p0 $0x1, v5  }
0xa9: {  	[tilespmem:s5+$0x350] =	vst @!p0 v0;
	v0 =	vadd.s32 @!p0 $0x1, v1  }
0xaa: {  	[tilespmem:s5+$0x360] =	vst @!p0 v0;
	v0 =	vadd.s32 @!p0 $0x1, v2  }
0xab: {  	s13 =	sadd.s32 @!p0 $0x300, s5;
	[tilespmem:s5+$0x370] =	vst @!p0 v0;
	s5 =	simm.s32 @!p0 $0x5C00  }
0xac: {  	[tilespmem:s5], [sflag:$0x2] =	stream.indirect.gather @!p0 [hbm4b:s1+s14], $0x80, s13, s14, $0xb8;
	[tilespmem:$0x15C00] =	vst v63  }
0xad: {  	_ =	swait.ge [sflag:s30], $0x4000  }
0xae: {  	[sflag:s30] =	ssyncset.done $0x0  }
.Ltmp2:
0xaf: {  	[sflag:s30] =	ssyncadd.s32 $0xFFFFC000;
	(pc) =	sbr.rel @p0 .LBB2_4-.Ltmp2, $4  }
0xb0: {  	[hbm4b:s8+s3] =	stream.linear.scatter [tilespmem:s24], [sflag:$0xA], $0x4000, $0x38;
	[tilespmem:$0x15C00] =	vst v63  }
0xb1: {  	_ =	swait.ge [sflag:s31], $0x4000  }
0xb2: {  	[sflag:s31] =	ssyncset.done $0x0  }
0xb3: {  	[sflag:s31] =	ssyncadd.s32 $0xFFFFC000  }
0xb4: {  	v0 =	vld [tilespmem:s6+$0x380]  }
0xb5: {  	v1 =	vld [tilespmem:s6+$0x390]  }
0xb6: {  	v2 =	vld [tilespmem:s6+$0x3A0]  }
0xb7: {  	v3 =	vld [tilespmem:s6+$0x3B0]  }
0xb8: {  	v4 =	vld [tilespmem:s6+$0x3C0]  }
0xb9: {  	v5 =	vld [tilespmem:s6+$0x3D0];
	v0 =	vadd.s32 $0x1, v0  }
0xba: {  	v56 =	vld [tilespmem:s6+$0x3E0];
	v55 =	vadd.s32 $0x1, v1;
	[tilespmem:s6+$0x380] =	vst v0  }
0xbb: {  	v58 =	vld [tilespmem:s6+$0x3F0];
	v57 =	vadd.s32 $0x1, v2;
	[tilespmem:s6+$0x390] =	vst v55  }
0xbc: {  	v59 =	vadd.s32 $0x1, v3;
	[tilespmem:s6+$0x3A0] =	vst v57  }
0xbd: {  	v60 =	vadd.s32 $0x1, v4;
	[tilespmem:s6+$0x3B0] =	vst v59  }
.Ltmp3:
0xbe: {  	v61 =	vadd.s32 $0x1, v5;
	[tilespmem:s6+$0x3C0] =	vst v60;
	(pc) =	sbr.rel .LBB2_2-.Ltmp3, $4  }
0xbf: {  	s5 =	sadd.s32 $0x380, s6;
	v62 =	vadd.s32 $0x1, v56;
	[tilespmem:s6+$0x3D0] =	vst v61  }
0xc0: {  	s4 =	sadd.s32 $0xA00, s4;
	s7 =	sadd.s32 $0x50000, s7;
	s8 =	sadd.s32 $0x50000, s8;
	v63 =	vadd.s32 $0x1, v58;
	[tilespmem:s6+$0x3E0] =	vst v62  }
0xc1: {  	s9 =	sadd.s32 $0x50000, s9;
	s10 =	sadd.s32 $0x50000, s10;
	s11 =	sadd.s32 $0x50000, s11;
	[tilespmem:s6+$0x3F0] =	vst v63  }
0xc2: {  	[tilespmem:s20], [sflag:$0x3] =	stream.indirect.gather [hbm4b:s1+s16], $0x80, s5, s16, $0xb8;
	[tilespmem:$0x15C00] =	vst v63  }
.LBB2_5:
0xc3: {  	_ =	sfence.sel $0x180000  }
0xc4: {  	[bflag:$0x0] =	sbarrier.arrive $0xFFFF  }
0xc5: {  	_ =	strace $0x90000047  }
0xc6: {  	s0 =	stileid.u32;
	[bflag:$0x2] =	sbarrier.arrive $0xFFFF  }
0xc7: {  	p0 =	sne.s32 s0, $0x0;
	s0 =	rddreg [dreg:$0x3]  }
0xc8: {  	s0 =	sadd.s32 @!p0 $0x100000, s0  }
0xc9: {  	[sflag:s0] =	ssyncadd.tile.s32 @!p0 $0x1;
	_ =	shalt  }
.Lfunc_end2:
_tile_overlayer_lowered:
.L_overlay_start_2:
0xca: {  	(tag) =	ssettag $0x2  }
0xcb: {  	s0 =	rddreg [dreg:$0x0];
	s2 =	stileid.u32  }
0xcc: {  	s1 =	rddreg [dreg:$0x1];
	p0 =	sne.s32 s2, $0x0  }
0xcd: {  	s3 =	rddreg [dreg:$0x2];
	[bflag:$0x3] =	sbarrier.arrive $0xFFFF;
	s2 =	simm.s32 @!p0 $0x1C0B  }
0xce: {  	[timem:s3], [sflag:s2] =	dma.local @!p0 [hbm:s0], s1  }
0xcf: {  	s0 =	simm.s32 @!p0 $0xB  }
0xd0: {  	_ =	swait.ge @!p0 [sflag:s0], s1  }
0xd1: {  	s1 =	ssub.s32 @!p0 $0x0, s1;
	[sflag:s0] =	ssyncset.done @!p0 $0x0  }
0xd2: {  	[sflag:s0] =	ssyncadd.s32 @!p0 s1  }
0xd3: {  	[bflag:$0x3] =	sbarrier.arrive $0xFFFF  }
0xd4: {  	_ =	shalt  }

</sc_bundles>
